<compile_context>
chip_gen: v7x
topology: tpu7x:2x2x1
jax: 0.10.2.dev20260603
libtpu: 0.0.44.dev20260713+nightly
codegen_flags: <defaults>
</compile_context>

<pallas_src>
import functools

import jax
import jax.numpy as jnp
from jax import lax
from jax.experimental import pallas as pl
from jax.experimental.pallas import tpu as pltpu
from jax.experimental.pallas import tpu_sc as plsc

NC = 2
NS = 16
NW = NC * NS


def _pick_chunk(epw):
    for c in range(128, 7, -8):
        if epw % c == 0:
            return c
    raise ValueError(f"no valid chunk for {epw} edges per worker")


@functools.cache
def _degrees_kernel(n, e):
    assert e % NW == 0
    epw = e // NW
    chunk = _pick_chunk(epw)
    nch = epw // chunk
    zrows = ((n + NS - 1) // NS + 15) // 16 * 16
    zlast = n - zrows * (NS - 1)
    assert zlast > 0 and zrows % 16 == 0
    mesh = plsc.VectorSubcoreMesh(core_axis_name="c", subcore_axis_name="s")

    def body(src_hbm, dst_hbm, out_hbm, idx_v, ones_v, zeros_v, cnt_src, cnt_dst):
        cid = lax.axis_index("c")
        sid = lax.axis_index("s")
        wid = sid * NC + cid
        base = wid * epw

        def fill_z(i, carry):
            zeros_v[pl.ds(i * 16, 16)] = jnp.zeros((16,), jnp.float32)
            return carry

        lax.fori_loop(0, zrows // 16, fill_z, 0)

        def fill_o(i, carry):
            ones_v[pl.ds(i * 16, 16)] = jnp.ones((16,), jnp.float32)
            return carry

        lax.fori_loop(0, chunk // 16, fill_o, 0)

        @pl.when(sid < NS - 1)
        def _zero_main():
            pltpu.sync_copy(zeros_v, cnt_src.at[pl.ds(sid * zrows, zrows)])
            pltpu.sync_copy(zeros_v, cnt_dst.at[pl.ds(sid * zrows, zrows)])

        @pl.when(sid == NS - 1)
        def _zero_tail():
            pltpu.sync_copy(zeros_v.at[pl.ds(0, zlast)],
                            cnt_src.at[pl.ds((NS - 1) * zrows, zlast)])
            pltpu.sync_copy(zeros_v.at[pl.ds(0, zlast)],
                            cnt_dst.at[pl.ds((NS - 1) * zrows, zlast)])

        plsc.subcore_barrier()

        def step(j, carry):
            off = base + j * chunk
            pltpu.sync_copy(src_hbm.at[pl.ds(off, chunk)], idx_v.at[0])
            pltpu.sync_copy(dst_hbm.at[pl.ds(off, chunk)], idx_v.at[1])
            pltpu.sync_copy(ones_v, cnt_src.at[idx_v.at[0]], add=True)
            pltpu.sync_copy(ones_v, cnt_dst.at[idx_v.at[1]], add=True)
            return carry

        lax.fori_loop(0, nch, step, 0)

        plsc.subcore_barrier()

        @pl.when(sid == 0)
        def _writeout():
            pltpu.sync_copy(cnt_src, out_hbm.at[cid, 0])
            pltpu.sync_copy(cnt_dst, out_hbm.at[cid, 1])

    return pl.kernel(
        body,
        out_type=jax.ShapeDtypeStruct((NC, 2, n), jnp.float32),
        mesh=mesh,
        scratch_types=[
            pltpu.VMEM((2, chunk), jnp.int32),
            pltpu.VMEM((chunk,), jnp.float32),
            pltpu.VMEM((zrows,), jnp.float32),
            pltpu.VMEM_SHARED((n,), jnp.float32),
            pltpu.VMEM_SHARED((n,), jnp.float32),
        ],
    )


@functools.cache
def _agg_kernel(n, e, d):
    assert e % NW == 0 and d % 16 == 0
    epw = e // NW
    chunk = _pick_chunk(epw)
    nch = epw // chunk
    rmain = ((n + NS - 1) // NS + 7) // 8 * 8
    rtail = n - rmain * (NS - 1)
    assert 0 < rtail <= rmain and rtail % 8 == 0
    mesh = plsc.VectorSubcoreMesh(core_axis_name="c", subcore_axis_name="s")

    def zero_rows(rows_v, agg_sh, row0, nrows):
        t = 0
        while (t + 1) * chunk <= nrows:
            pltpu.sync_copy(rows_v, agg_sh.at[pl.ds(row0 + t * chunk, chunk)])
            t += 1
        rem = nrows - t * chunk
        if rem:
            pltpu.sync_copy(rows_v.at[pl.ds(0, rem)],
                            agg_sh.at[pl.ds(row0 + t * chunk, rem)])

    def body(sfeat_hbm, src_hbm, dst_hbm, out_hbm, idx_v, rows_v, agg_sh, sem):
        cid = lax.axis_index("c")
        sid = lax.axis_index("s")
        wid = sid * NC + cid
        base = wid * epw

        def fill_z(i, carry):
            r = i // (d // 16)
            c = i % (d // 16)
            rows_v[r, pl.ds(c * 16, 16)] = jnp.zeros((16,), jnp.float32)
            return carry

        lax.fori_loop(0, chunk * (d // 16), fill_z, 0)

        @pl.when(sid < NS - 1)
        def _zero_main():
            zero_rows(rows_v, agg_sh, sid * rmain, rmain)

        @pl.when(sid == NS - 1)
        def _zero_tail():
            zero_rows(rows_v, agg_sh, (NS - 1) * rmain, rtail)

        plsc.subcore_barrier()

        def step(j, carry):
            off = base + j * chunk
            pltpu.sync_copy(src_hbm.at[pl.ds(off, chunk)], idx_v.at[0])
            pltpu.sync_copy(dst_hbm.at[pl.ds(off, chunk)], idx_v.at[1])
            pltpu.async_copy(sfeat_hbm.at[idx_v.at[0]], rows_v, sem).wait()
            pltpu.sync_copy(rows_v, agg_sh.at[idx_v.at[1]], add=True)
            return carry

        lax.fori_loop(0, nch, step, 0)

        plsc.subcore_barrier()

        @pl.when(sid < NS - 1)
        def _write_main():
            pltpu.sync_copy(agg_sh.at[pl.ds(sid * rmain, rmain)],
                            out_hbm.at[cid, pl.ds(sid * rmain, rmain)])

        @pl.when(sid == NS - 1)
        def _write_tail():
            pltpu.sync_copy(agg_sh.at[pl.ds((NS - 1) * rmain, rtail)],
                            out_hbm.at[cid, pl.ds((NS - 1) * rmain, rtail)])

    return pl.kernel(
        body,
        out_type=jax.ShapeDtypeStruct((NC, n, d), jnp.float32),
        mesh=mesh,
        scratch_types=[
            pltpu.VMEM((2, chunk), jnp.int32),
            pltpu.VMEM((chunk, d), jnp.float32),
            pltpu.VMEM_SHARED((n, d), jnp.float32),
            pltpu.SemaphoreType.DMA,
        ],
    )


def _scale_body(feat_ref, cnt_ref, out_ref):
    deg = cnt_ref[0, 0] + cnt_ref[1, 0]
    norm = lax.rsqrt(jnp.maximum(deg, 1.0))
    out_ref[...] = feat_ref[...] * norm


def _score_body(feat_ref, agg_ref, cnt_ref, out_ref):
    indeg = cnt_ref[0, 1] + cnt_ref[1, 1]
    dn = lax.rsqrt(jnp.maximum(indeg, 1.0))
    agg = agg_ref[0] + agg_ref[1]
    x = feat_ref[...] - agg * dn
    out_ref[...] = jnp.sum(jnp.abs(x), axis=1, keepdims=True)


@functools.cache
def _scale_kernel(n, d):
    return pl.pallas_call(
        _scale_body,
        out_shape=jax.ShapeDtypeStruct((n, d), jnp.float32),
    )


@functools.cache
def _score_kernel(n, d):
    return pl.pallas_call(
        _score_body,
        out_shape=jax.ShapeDtypeStruct((n, 1), jnp.float32),
    )


def kernel(feat, edge_index):
    n, d = feat.shape
    e = edge_index.shape[1]
    src = edge_index[0]
    dst = edge_index[1]
    counts = _degrees_kernel(n, e)(src, dst)
    counts4 = counts.reshape(NC, 2, n, 1)
    sfeat = _scale_kernel(n, d)(feat, counts4)
    agg2 = _agg_kernel(n, e, d)(sfeat, src, dst)
    score = _score_kernel(n, d)(feat, agg2, counts4)
    return score.reshape(n)

# --- scband reference (transcript-rebuilt; emitter-appended) ---
"""Pipeline reference for scband-node-info-score-layer-58394375356876 (READ-ONLY COPY).

The authoritative reference and input builder live on the scoring server;
editing this copy changes nothing except your own understanding.
"""

import jax, jax.numpy as jnp
import numpy as np

N = 10000
E = 320000
D = 128

def setup_inputs(seed: int = 0) -> dict:
    key = jax.random.key(seed)
    k1, k2 = jax.random.split(key)
    feat = jax.random.normal(k1, (N, D), dtype=jnp.float32)
    edge_index = jax.random.randint(k2, (2, E), 0, N, dtype=jnp.int32)
    return {"feat": feat, "edge_index": edge_index}

def reference(feat, edge_index):
    # DGL semantics: edge (src, dst); message = copy_src('h'), reduce = sum into dst
    src = edge_index[0]
    dst = edge_index[1]
    out_deg = jnp.bincount(src, length=N).astype(jnp.float32)
    in_deg = jnp.bincount(dst, length=N).astype(jnp.float32)
    src_norm = jnp.power(jnp.clip(out_deg, 1.0, None), -0.5).reshape(-1, 1)
    dst_norm = jnp.power(jnp.clip(in_deg, 1.0, None), -0.5).reshape(-1, 1)
    src_feat = feat * src_norm
    # update_all(copy_src, sum): gather messages from src nodes, scatter-add into dst nodes
    msgs = jnp.take(src_feat, src, axis=0)
    agg = jax.ops.segment_sum(msgs, dst, num_segments=N)
    dst_feat = agg * dst_norm
    feat_out = feat - dst_feat
    score = jnp.sum(jnp.abs(feat_out), axis=1)
    return score

if __name__ == "__main__":
    import jax
    _d = setup_inputs()
    print(jax.jit(kernel)(*tuple(_d.values())))

</pallas_src>

<mosaic_0001>
#map = affine_map<(d0, d1) -> (0)>
#map1 = affine_map<(d0, d1) -> (0, 0, 0)>
module attributes {stable_mosaic.version = 14 : i64} {
  func.func @body(%arg0: i32, %arg1: i32, %arg2: memref<320000xi32, #tpu.memory_space<hbm>>, %arg3: memref<320000xi32, #tpu.memory_space<hbm>>, %arg4: memref<2x2x10000xf32, #tpu.memory_space<hbm>>, %arg5: memref<2x80xi32, #tpu.memory_space<vmem>>, %arg6: memref<80xf32, #tpu.memory_space<vmem>>, %arg7: memref<640xf32, #tpu.memory_space<vmem>>, %arg8: memref<10000xf32, #tpu.memory_space<vmem_shared>>, %arg9: memref<10000xf32, #tpu.memory_space<vmem_shared>>) attributes {dimension_semantics = [#tpu.dimension_semantics<core_parallel>, #tpu.dimension_semantics<subcore_parallel>], iteration_bounds = array<i64: 2, 16>, scalar_prefetch = 0 : i64, scratch_operands = 5 : i64, tpu.core_type = #tpu.core_type<sc_vector_subcore>, window_params = [{transform_indices = #map}, {transform_indices = #map}, {transform_indices = #map1}]} {
    %mul3A = arith.constant 2 : i32
    %mul3A_0 = arith.muli %arg1, %mul3A : i32
    %add3A = arith.addi %mul3A_0, %arg0 : i32
    %mul3A_1 = arith.constant 10000 : i32
    %mul3A_2 = arith.muli %add3A, %mul3A_1 : i32
    %scan3A = arith.constant 0 : i32
    %scan3A_3 = arith.constant 0 : i32
    %scan3A_4 = arith.constant 40 : i32
    %scan3A_5 = arith.addi %scan3A_3, %scan3A_4 : i32
    %scan3A_6 = arith.constant 1 : i32
    scf.for %scan3A_32 = %scan3A_3 to %scan3A_5 step %scan3A_6  : i32 {
      %broadcast_in_dim3A = arith.constant 0.000000e+00 : f32
      %broadcast_in_dim3A_33 = vector.broadcast %broadcast_in_dim3A : f32 to vector<16xf32>
      %mul3A_34 = arith.constant 16 : i32
      %mul3A_35 = arith.muli %scan3A_32, %mul3A_34 : i32
      %swap3A = arith.index_cast %mul3A_35 : i32 to index
      %swap3A_36 = tpu.vector_load %arg7[%swap3A] {strides = array<i32>} : memref<640xf32, #tpu.memory_space<vmem>>, vector<16xf32>,
      %swap3A_37 = vector.shape_cast %swap3A_36 : vector<16xf32> to vector<16xf32>
      %swap3A_38 = vector.shape_cast %broadcast_in_dim3A_33 : vector<16xf32> to vector<16xf32>
      tpu.vector_store %arg7[%swap3A], %swap3A_38 {strides = array<i32>} : memref<640xf32, #tpu.memory_space<vmem>>, vector<16xf32>,
    }
    %scan3A_7 = arith.constant 40 : i32
    %scan3A_8 = arith.constant 0 : i32
    %scan3A_9 = arith.constant 0 : i32
    %scan3A_10 = arith.constant 5 : i32
    %scan3A_11 = arith.addi %scan3A_9, %scan3A_10 : i32
    %scan3A_12 = arith.constant 1 : i32
    scf.for %scan3A_32 = %scan3A_9 to %scan3A_11 step %scan3A_12  : i32 {
      %broadcast_in_dim3A = arith.constant 1.000000e+00 : f32
      %broadcast_in_dim3A_33 = vector.broadcast %broadcast_in_dim3A : f32 to vector<16xf32>
      %mul3A_34 = arith.constant 16 : i32
      %mul3A_35 = arith.muli %scan3A_32, %mul3A_34 : i32
      %swap3A = arith.index_cast %mul3A_35 : i32 to index
      %swap3A_36 = tpu.vector_load %arg6[%swap3A] {strides = array<i32>} : memref<80xf32, #tpu.memory_space<vmem>>, vector<16xf32>,
      %swap3A_37 = vector.shape_cast %swap3A_36 : vector<16xf32> to vector<16xf32>
      %swap3A_38 = vector.shape_cast %broadcast_in_dim3A_33 : vector<16xf32> to vector<16xf32>
      tpu.vector_store %arg6[%swap3A], %swap3A_38 {strides = array<i32>} : memref<80xf32, #tpu.memory_space<vmem>>, vector<16xf32>,
    }
    %scan3A_13 = arith.constant 5 : i32
    %lt3A = arith.constant 15 : i32
    %lt3A_14 = arith.cmpi slt, %arg1, %lt3A : i32
    %convert_element_type3A = arith.extui %lt3A_14 : i1 to i32
    %cond3A = arith.constant 0 : i32
    %cond3A_15 = arith.cmpi ne, %convert_element_type3A, %cond3A : i32
    scf.if %cond3A_15 {
      %mul3A_32 = arith.constant 640 : i32
      %mul3A_33 = arith.muli %arg1, %mul3A_32 : i32
      "tpu.region"() ({
        %run_scoped3A = tpu.sem_alloc : memref<!tpu.dma_semaphore, #tpu.memory_space<semaphore_mem>>
        %dma_start3A = tpu.memref_slice %arg8[%mul3A_33] : memref<10000xf32, #tpu.memory_space<vmem_shared>> -> memref<640xf32, #tpu.memory_space<vmem_shared>>
        %dma_start3A_36 = tpu.memref_slice %arg8[%mul3A_33] : memref<10000xf32, #tpu.memory_space<vmem_shared>> -> memref<640xf32, #tpu.memory_space<vmem_shared>>
        tpu.enqueue_dma source(%arg7 : memref<640xf32, #tpu.memory_space<vmem>>) target(%dma_start3A_36 : memref<640xf32, #tpu.memory_space<vmem_shared>>) target_semaphore(%run_scoped3A : memref<!tpu.dma_semaphore, #tpu.memory_space<semaphore_mem>>)
        %dma_wait3A = tpu.memref_slice %arg8[%mul3A_33] : memref<10000xf32, #tpu.memory_space<vmem_shared>> -> memref<640xf32, #tpu.memory_space<vmem_shared>>
        %dma_wait3A_37 = tpu.memref_slice %arg8[%mul3A_33] : memref<10000xf32, #tpu.memory_space<vmem_shared>> -> memref<640xf32, #tpu.memory_space<vmem_shared>>
        tpu.wait_dma2 semaphore(%run_scoped3A : memref<!tpu.dma_semaphore, #tpu.memory_space<semaphore_mem>>) src(%arg7 : memref<640xf32, #tpu.memory_space<vmem>>) dst(%dma_wait3A_37 : memref<640xf32, #tpu.memory_space<vmem_shared>>)
        tpu.yield
      }) : () -> ()
      %mul3A_34 = arith.constant 640 : i32
      %mul3A_35 = arith.muli %arg1, %mul3A_34 : i32
      "tpu.region"() ({
        %run_scoped3A = tpu.sem_alloc : memref<!tpu.dma_semaphore, #tpu.memory_space<semaphore_mem>>
        %dma_start3A = tpu.memref_slice %arg9[%mul3A_35] : memref<10000xf32, #tpu.memory_space<vmem_shared>> -> memref<640xf32, #tpu.memory_space<vmem_shared>>
        %dma_start3A_36 = tpu.memref_slice %arg9[%mul3A_35] : memref<10000xf32, #tpu.memory_space<vmem_shared>> -> memref<640xf32, #tpu.memory_space<vmem_shared>>
        tpu.enqueue_dma source(%arg7 : memref<640xf32, #tpu.memory_space<vmem>>) target(%dma_start3A_36 : memref<640xf32, #tpu.memory_space<vmem_shared>>) target_semaphore(%run_scoped3A : memref<!tpu.dma_semaphore, #tpu.memory_space<semaphore_mem>>)
        %dma_wait3A = tpu.memref_slice %arg9[%mul3A_35] : memref<10000xf32, #tpu.memory_space<vmem_shared>> -> memref<640xf32, #tpu.memory_space<vmem_shared>>
        %dma_wait3A_37 = tpu.memref_slice %arg9[%mul3A_35] : memref<10000xf32, #tpu.memory_space<vmem_shared>> -> memref<640xf32, #tpu.memory_space<vmem_shared>>
        tpu.wait_dma2 semaphore(%run_scoped3A : memref<!tpu.dma_semaphore, #tpu.memory_space<semaphore_mem>>) src(%arg7 : memref<640xf32, #tpu.memory_space<vmem>>) dst(%dma_wait3A_37 : memref<640xf32, #tpu.memory_space<vmem_shared>>)
        tpu.yield
      }) : () -> ()
    } else {
    }
    %eq3A = arith.constant 15 : i32
    %eq3A_16 = arith.cmpi eq, %arg1, %eq3A : i32
    %convert_element_type3A_17 = arith.extui %eq3A_16 : i1 to i32
    %cond3A_18 = arith.constant 0 : i32
    %cond3A_19 = arith.cmpi ne, %convert_element_type3A_17, %cond3A_18 : i32
    scf.if %cond3A_19 {
      "tpu.region"() ({
        %run_scoped3A = tpu.sem_alloc : memref<!tpu.dma_semaphore, #tpu.memory_space<semaphore_mem>>
        %dma_start3A = arith.constant 0 : i32
        %dma_start3A_32 = tpu.memref_slice %arg7[%dma_start3A] : memref<640xf32, #tpu.memory_space<vmem>> -> memref<400xf32, #tpu.memory_space<vmem>>
        %dma_start3A_33 = arith.constant 9600 : i32
        %dma_start3A_34 = tpu.memref_slice %arg8[%dma_start3A_33] : memref<10000xf32, #tpu.memory_space<vmem_shared>> -> memref<400xf32, #tpu.memory_space<vmem_shared>>
        %dma_start3A_35 = arith.constant 9600 : i32
        %dma_start3A_36 = tpu.memref_slice %arg8[%dma_start3A_35] : memref<10000xf32, #tpu.memory_space<vmem_shared>> -> memref<400xf32, #tpu.memory_space<vmem_shared>>
        %dma_start3A_37 = arith.constant 0 : i32
        %dma_start3A_38 = tpu.memref_slice %arg7[%dma_start3A_37] : memref<640xf32, #tpu.memory_space<vmem>> -> memref<400xf32, #tpu.memory_space<vmem>>
        tpu.enqueue_dma source(%dma_start3A_38 : memref<400xf32, #tpu.memory_space<vmem>>) target(%dma_start3A_36 : memref<400xf32, #tpu.memory_space<vmem_shared>>) target_semaphore(%run_scoped3A : memref<!tpu.dma_semaphore, #tpu.memory_space<semaphore_mem>>)
        %dma_wait3A = arith.constant 0 : i32
        %dma_wait3A_39 = tpu.memref_slice %arg7[%dma_wait3A] : memref<640xf32, #tpu.memory_space<vmem>> -> memref<400xf32, #tpu.memory_space<vmem>>
        %dma_wait3A_40 = arith.constant 9600 : i32
        %dma_wait3A_41 = tpu.memref_slice %arg8[%dma_wait3A_40] : memref<10000xf32, #tpu.memory_space<vmem_shared>> -> memref<400xf32, #tpu.memory_space<vmem_shared>>
        %dma_wait3A_42 = arith.constant 9600 : i32
        %dma_wait3A_43 = tpu.memref_slice %arg8[%dma_wait3A_42] : memref<10000xf32, #tpu.memory_space<vmem_shared>> -> memref<400xf32, #tpu.memory_space<vmem_shared>>
        %dma_wait3A_44 = arith.constant 0 : i32
        %dma_wait3A_45 = tpu.memref_slice %arg7[%dma_wait3A_44] : memref<640xf32, #tpu.memory_space<vmem>> -> memref<400xf32, #tpu.memory_space<vmem>>
        tpu.wait_dma2 semaphore(%run_scoped3A : memref<!tpu.dma_semaphore, #tpu.memory_space<semaphore_mem>>) src(%dma_wait3A_45 : memref<400xf32, #tpu.memory_space<vmem>>) dst(%dma_wait3A_43 : memref<400xf32, #tpu.memory_space<vmem_shared>>)
        tpu.yield
      }) : () -> ()
      "tpu.region"() ({
        %run_scoped3A = tpu.sem_alloc : memref<!tpu.dma_semaphore, #tpu.memory_space<semaphore_mem>>
        %dma_start3A = arith.constant 0 : i32
        %dma_start3A_32 = tpu.memref_slice %arg7[%dma_start3A] : memref<640xf32, #tpu.memory_space<vmem>> -> memref<400xf32, #tpu.memory_space<vmem>>
        %dma_start3A_33 = arith.constant 9600 : i32
        %dma_start3A_34 = tpu.memref_slice %arg9[%dma_start3A_33] : memref<10000xf32, #tpu.memory_space<vmem_shared>> -> memref<400xf32, #tpu.memory_space<vmem_shared>>
        %dma_start3A_35 = arith.constant 9600 : i32
        %dma_start3A_36 = tpu.memref_slice %arg9[%dma_start3A_35] : memref<10000xf32, #tpu.memory_space<vmem_shared>> -> memref<400xf32, #tpu.memory_space<vmem_shared>>
        %dma_start3A_37 = arith.constant 0 : i32
        %dma_start3A_38 = tpu.memref_slice %arg7[%dma_start3A_37] : memref<640xf32, #tpu.memory_space<vmem>> -> memref<400xf32, #tpu.memory_space<vmem>>
        tpu.enqueue_dma source(%dma_start3A_38 : memref<400xf32, #tpu.memory_space<vmem>>) target(%dma_start3A_36 : memref<400xf32, #tpu.memory_space<vmem_shared>>) target_semaphore(%run_scoped3A : memref<!tpu.dma_semaphore, #tpu.memory_space<semaphore_mem>>)
        %dma_wait3A = arith.constant 0 : i32
        %dma_wait3A_39 = tpu.memref_slice %arg7[%dma_wait3A] : memref<640xf32, #tpu.memory_space<vmem>> -> memref<400xf32, #tpu.memory_space<vmem>>
        %dma_wait3A_40 = arith.constant 9600 : i32
        %dma_wait3A_41 = tpu.memref_slice %arg9[%dma_wait3A_40] : memref<10000xf32, #tpu.memory_space<vmem_shared>> -> memref<400xf32, #tpu.memory_space<vmem_shared>>
        %dma_wait3A_42 = arith.constant 9600 : i32
        %dma_wait3A_43 = tpu.memref_slice %arg9[%dma_wait3A_42] : memref<10000xf32, #tpu.memory_space<vmem_shared>> -> memref<400xf32, #tpu.memory_space<vmem_shared>>
        %dma_wait3A_44 = arith.constant 0 : i32
        %dma_wait3A_45 = tpu.memref_slice %arg7[%dma_wait3A_44] : memref<640xf32, #tpu.memory_space<vmem>> -> memref<400xf32, #tpu.memory_space<vmem>>
        tpu.wait_dma2 semaphore(%run_scoped3A : memref<!tpu.dma_semaphore, #tpu.memory_space<semaphore_mem>>) src(%dma_wait3A_45 : memref<400xf32, #tpu.memory_space<vmem>>) dst(%dma_wait3A_43 : memref<400xf32, #tpu.memory_space<vmem_shared>>)
        tpu.yield
      }) : () -> ()
    } else {
    }
    %barrier3A = arith.constant 0 : index
    tpu.barrier barrier_id(%barrier3A)
    %scan3A_20 = arith.constant 0 : i32
    %scan3A_21 = arith.constant 0 : i32
    %scan3A_22 = arith.constant 125 : i32
    %scan3A_23 = arith.addi %scan3A_21, %scan3A_22 : i32
    %scan3A_24 = arith.constant 1 : i32
    scf.for %scan3A_32 = %scan3A_21 to %scan3A_23 step %scan3A_24  : i32 {
      %mul3A_33 = arith.constant 80 : i32
      %mul3A_34 = arith.muli %scan3A_32, %mul3A_33 : i32
      %add3A_35 = arith.addi %mul3A_2, %mul3A_34 : i32
      %run_scoped3A = arith.constant 0 : i32
      "tpu.region"() ({
        %run_scoped3A_39 = tpu.sem_alloc : memref<!tpu.dma_semaphore, #tpu.memory_space<semaphore_mem>>
        %dma_start3A = arith.constant 0 : i32
        %dma_start3A_40 = tpu.memref_slice %arg5[%run_scoped3A, %dma_start3A] : memref<2x80xi32, #tpu.memory_space<vmem>> -> memref<1x80xi32, #tpu.memory_space<vmem>>
        %dma_start3A_41 = tpu.memref_squeeze %dma_start3A_40 : memref<1x80xi32, #tpu.memory_space<vmem>> -> memref<80xi32, #tpu.memory_space<vmem>>
        %dma_start3A_42 = tpu.memref_slice %arg2[%add3A_35] : memref<320000xi32, #tpu.memory_space<hbm>> -> memref<80xi32, #tpu.memory_space<hbm>>
        %dma_start3A_43 = arith.constant 0 : i32
        %dma_start3A_44 = tpu.memref_slice %arg5[%run_scoped3A, %dma_start3A_43] : memref<2x80xi32, #tpu.memory_space<vmem>> -> memref<1x80xi32, #tpu.memory_space<vmem>>
        %dma_start3A_45 = tpu.memref_squeeze %dma_start3A_44 : memref<1x80xi32, #tpu.memory_space<vmem>> -> memref<80xi32, #tpu.memory_space<vmem>>
        %dma_start3A_46 = tpu.memref_slice %arg2[%add3A_35] : memref<320000xi32, #tpu.memory_space<hbm>> -> memref<80xi32, #tpu.memory_space<hbm>>
        tpu.enqueue_dma source(%dma_start3A_46 : memref<80xi32, #tpu.memory_space<hbm>>) target(%dma_start3A_45 : memref<80xi32, #tpu.memory_space<vmem>>) target_semaphore(%run_scoped3A_39 : memref<!tpu.dma_semaphore, #tpu.memory_space<semaphore_mem>>)
        %dma_wait3A = arith.constant 0 : i32
        %dma_wait3A_47 = tpu.memref_slice %arg5[%run_scoped3A, %dma_wait3A] : memref<2x80xi32, #tpu.memory_space<vmem>> -> memref<1x80xi32, #tpu.memory_space<vmem>>
        %dma_wait3A_48 = tpu.memref_squeeze %dma_wait3A_47 : memref<1x80xi32, #tpu.memory_space<vmem>> -> memref<80xi32, #tpu.memory_space<vmem>>
        %dma_wait3A_49 = tpu.memref_slice %arg2[%add3A_35] : memref<320000xi32, #tpu.memory_space<hbm>> -> memref<80xi32, #tpu.memory_space<hbm>>
        %dma_wait3A_50 = arith.constant 0 : i32
        %dma_wait3A_51 = tpu.memref_slice %arg5[%run_scoped3A, %dma_wait3A_50] : memref<2x80xi32, #tpu.memory_space<vmem>> -> memref<1x80xi32, #tpu.memory_space<vmem>>
        %dma_wait3A_52 = tpu.memref_squeeze %dma_wait3A_51 : memref<1x80xi32, #tpu.memory_space<vmem>> -> memref<80xi32, #tpu.memory_space<vmem>>
        %dma_wait3A_53 = tpu.memref_slice %arg2[%add3A_35] : memref<320000xi32, #tpu.memory_space<hbm>> -> memref<80xi32, #tpu.memory_space<hbm>>
        tpu.wait_dma2 semaphore(%run_scoped3A_39 : memref<!tpu.dma_semaphore, #tpu.memory_space<semaphore_mem>>) src(%dma_wait3A_53 : memref<80xi32, #tpu.memory_space<hbm>>) dst(%dma_wait3A_52 : memref<80xi32, #tpu.memory_space<vmem>>)
        tpu.yield
      }) : () -> ()
      %run_scoped3A_36 = arith.constant 1 : i32
      "tpu.region"() ({
        %run_scoped3A_39 = tpu.sem_alloc : memref<!tpu.dma_semaphore, #tpu.memory_space<semaphore_mem>>
        %dma_start3A = arith.constant 0 : i32
        %dma_start3A_40 = tpu.memref_slice %arg5[%run_scoped3A_36, %dma_start3A] : memref<2x80xi32, #tpu.memory_space<vmem>> -> memref<1x80xi32, #tpu.memory_space<vmem>>
        %dma_start3A_41 = tpu.memref_squeeze %dma_start3A_40 : memref<1x80xi32, #tpu.memory_space<vmem>> -> memref<80xi32, #tpu.memory_space<vmem>>
        %dma_start3A_42 = tpu.memref_slice %arg3[%add3A_35] : memref<320000xi32, #tpu.memory_space<hbm>> -> memref<80xi32, #tpu.memory_space<hbm>>
        %dma_start3A_43 = arith.constant 0 : i32
        %dma_start3A_44 = tpu.memref_slice %arg5[%run_scoped3A_36, %dma_start3A_43] : memref<2x80xi32, #tpu.memory_space<vmem>> -> memref<1x80xi32, #tpu.memory_space<vmem>>
        %dma_start3A_45 = tpu.memref_squeeze %dma_start3A_44 : memref<1x80xi32, #tpu.memory_space<vmem>> -> memref<80xi32, #tpu.memory_space<vmem>>
        %dma_start3A_46 = tpu.memref_slice %arg3[%add3A_35] : memref<320000xi32, #tpu.memory_space<hbm>> -> memref<80xi32, #tpu.memory_space<hbm>>
        tpu.enqueue_dma source(%dma_start3A_46 : memref<80xi32, #tpu.memory_space<hbm>>) target(%dma_start3A_45 : memref<80xi32, #tpu.memory_space<vmem>>) target_semaphore(%run_scoped3A_39 : memref<!tpu.dma_semaphore, #tpu.memory_space<semaphore_mem>>)
        %dma_wait3A = arith.constant 0 : i32
        %dma_wait3A_47 = tpu.memref_slice %arg5[%run_scoped3A_36, %dma_wait3A] : memref<2x80xi32, #tpu.memory_space<vmem>> -> memref<1x80xi32, #tpu.memory_space<vmem>>
        %dma_wait3A_48 = tpu.memref_squeeze %dma_wait3A_47 : memref<1x80xi32, #tpu.memory_space<vmem>> -> memref<80xi32, #tpu.memory_space<vmem>>
        %dma_wait3A_49 = tpu.memref_slice %arg3[%add3A_35] : memref<320000xi32, #tpu.memory_space<hbm>> -> memref<80xi32, #tpu.memory_space<hbm>>
        %dma_wait3A_50 = arith.constant 0 : i32
        %dma_wait3A_51 = tpu.memref_slice %arg5[%run_scoped3A_36, %dma_wait3A_50] : memref<2x80xi32, #tpu.memory_space<vmem>> -> memref<1x80xi32, #tpu.memory_space<vmem>>
        %dma_wait3A_52 = tpu.memref_squeeze %dma_wait3A_51 : memref<1x80xi32, #tpu.memory_space<vmem>> -> memref<80xi32, #tpu.memory_space<vmem>>
        %dma_wait3A_53 = tpu.memref_slice %arg3[%add3A_35] : memref<320000xi32, #tpu.memory_space<hbm>> -> memref<80xi32, #tpu.memory_space<hbm>>
        tpu.wait_dma2 semaphore(%run_scoped3A_39 : memref<!tpu.dma_semaphore, #tpu.memory_space<semaphore_mem>>) src(%dma_wait3A_53 : memref<80xi32, #tpu.memory_space<hbm>>) dst(%dma_wait3A_52 : memref<80xi32, #tpu.memory_space<vmem>>)
        tpu.yield
      }) : () -> ()
      %run_scoped3A_37 = arith.constant 0 : i32
      "tpu.region"() ({
        %run_scoped3A_39 = tpu.sem_alloc : memref<!tpu.dma_semaphore, #tpu.memory_space<semaphore_mem>>
        %dma_start3A = arith.constant 0 : i32
        %dma_start3A_40 = tpu.memref_slice %arg5[%run_scoped3A_37, %dma_start3A] : memref<2x80xi32, #tpu.memory_space<vmem>> -> memref<1x80xi32, #tpu.memory_space<vmem>>
        %dma_start3A_41 = tpu.memref_squeeze %dma_start3A_40 : memref<1x80xi32, #tpu.memory_space<vmem>> -> memref<80xi32, #tpu.memory_space<vmem>>
        %dma_start3A_42 = arith.constant 0 : i32
        %dma_start3A_43 = tpu.memref_slice %arg8[%dma_start3A_42] : memref<10000xf32, #tpu.memory_space<vmem_shared>> -> memref<10000xf32, #tpu.memory_space<vmem_shared>>
        tpu.enqueue_indirect_dma source(%arg6 : memref<80xf32, #tpu.memory_space<vmem>>) target(%dma_start3A_43 : memref<10000xf32, #tpu.memory_space<vmem_shared>>) offsets(%dma_start3A_41 : memref<80xi32, #tpu.memory_space<vmem>>) semaphore(%run_scoped3A_39 : memref<!tpu.dma_semaphore, #tpu.memory_space<semaphore_mem>>) {add = true}
        %dma_wait3A = arith.constant 0 : i32
        %dma_wait3A_44 = tpu.memref_slice %arg5[%run_scoped3A_37, %dma_wait3A] : memref<2x80xi32, #tpu.memory_space<vmem>> -> memref<1x80xi32, #tpu.memory_space<vmem>>
        %dma_wait3A_45 = tpu.memref_squeeze %dma_wait3A_44 : memref<1x80xi32, #tpu.memory_space<vmem>> -> memref<80xi32, #tpu.memory_space<vmem>>
        %dma_wait3A_46 = arith.constant 0 : i32
        %dma_wait3A_47 = tpu.memref_slice %arg8[%dma_wait3A_46] : memref<10000xf32, #tpu.memory_space<vmem_shared>> -> memref<10000xf32, #tpu.memory_space<vmem_shared>>
        tpu.wait_indirect_dma semaphore(%run_scoped3A_39 : memref<!tpu.dma_semaphore, #tpu.memory_space<semaphore_mem>>) src(%arg6 : memref<80xf32, #tpu.memory_space<vmem>>) dst(%dma_wait3A_47 : memref<10000xf32, #tpu.memory_space<vmem_shared>>)
        tpu.yield
      }) : () -> ()
      %run_scoped3A_38 = arith.constant 1 : i32
      "tpu.region"() ({
        %run_scoped3A_39 = tpu.sem_alloc : memref<!tpu.dma_semaphore, #tpu.memory_space<semaphore_mem>>
        %dma_start3A = arith.constant 0 : i32
        %dma_start3A_40 = tpu.memref_slice %arg5[%run_scoped3A_38, %dma_start3A] : memref<2x80xi32, #tpu.memory_space<vmem>> -> memref<1x80xi32, #tpu.memory_space<vmem>>
        %dma_start3A_41 = tpu.memref_squeeze %dma_start3A_40 : memref<1x80xi32, #tpu.memory_space<vmem>> -> memref<80xi32, #tpu.memory_space<vmem>>
        %dma_start3A_42 = arith.constant 0 : i32
        %dma_start3A_43 = tpu.memref_slice %arg9[%dma_start3A_42] : memref<10000xf32, #tpu.memory_space<vmem_shared>> -> memref<10000xf32, #tpu.memory_space<vmem_shared>>
        tpu.enqueue_indirect_dma source(%arg6 : memref<80xf32, #tpu.memory_space<vmem>>) target(%dma_start3A_43 : memref<10000xf32, #tpu.memory_space<vmem_shared>>) offsets(%dma_start3A_41 : memref<80xi32, #tpu.memory_space<vmem>>) semaphore(%run_scoped3A_39 : memref<!tpu.dma_semaphore, #tpu.memory_space<semaphore_mem>>) {add = true}
        %dma_wait3A = arith.constant 0 : i32
        %dma_wait3A_44 = tpu.memref_slice %arg5[%run_scoped3A_38, %dma_wait3A] : memref<2x80xi32, #tpu.memory_space<vmem>> -> memref<1x80xi32, #tpu.memory_space<vmem>>
        %dma_wait3A_45 = tpu.memref_squeeze %dma_wait3A_44 : memref<1x80xi32, #tpu.memory_space<vmem>> -> memref<80xi32, #tpu.memory_space<vmem>>
        %dma_wait3A_46 = arith.constant 0 : i32
        %dma_wait3A_47 = tpu.memref_slice %arg9[%dma_wait3A_46] : memref<10000xf32, #tpu.memory_space<vmem_shared>> -> memref<10000xf32, #tpu.memory_space<vmem_shared>>
        tpu.wait_indirect_dma semaphore(%run_scoped3A_39 : memref<!tpu.dma_semaphore, #tpu.memory_space<semaphore_mem>>) src(%arg6 : memref<80xf32, #tpu.memory_space<vmem>>) dst(%dma_wait3A_47 : memref<10000xf32, #tpu.memory_space<vmem_shared>>)
        tpu.yield
      }) : () -> ()
    }
    %scan3A_25 = arith.constant 125 : i32
    %barrier3A_26 = arith.constant 0 : index
    tpu.barrier barrier_id(%barrier3A_26)
    %eq3A_27 = arith.constant 0 : i32
    %eq3A_28 = arith.cmpi eq, %arg1, %eq3A_27 : i32
    %convert_element_type3A_29 = arith.extui %eq3A_28 : i1 to i32
    %cond3A_30 = arith.constant 0 : i32
    %cond3A_31 = arith.cmpi ne, %convert_element_type3A_29, %cond3A_30 : i32
    scf.if %cond3A_31 {
      %run_scoped3A = arith.constant 0 : i32
      "tpu.region"() ({
        %run_scoped3A_33 = tpu.sem_alloc : memref<!tpu.dma_semaphore, #tpu.memory_space<semaphore_mem>>
        %dma_start3A = arith.constant 0 : i32
        %dma_start3A_34 = tpu.memref_slice %arg4[%arg0, %run_scoped3A, %dma_start3A] : memref<2x2x10000xf32, #tpu.memory_space<hbm>> -> memref<1x1x10000xf32, #tpu.memory_space<hbm>>
        %dma_start3A_35 = tpu.memref_squeeze %dma_start3A_34 : memref<1x1x10000xf32, #tpu.memory_space<hbm>> -> memref<10000xf32, #tpu.memory_space<hbm>>
        tpu.enqueue_dma source(%arg8 : memref<10000xf32, #tpu.memory_space<vmem_shared>>) target(%dma_start3A_35 : memref<10000xf32, #tpu.memory_space<hbm>>) target_semaphore(%run_scoped3A_33 : memref<!tpu.dma_semaphore, #tpu.memory_space<semaphore_mem>>)
        %dma_wait3A = arith.constant 0 : i32
        %dma_wait3A_36 = tpu.memref_slice %arg4[%arg0, %run_scoped3A, %dma_wait3A] : memref<2x2x10000xf32, #tpu.memory_space<hbm>> -> memref<1x1x10000xf32, #tpu.memory_space<hbm>>
        %dma_wait3A_37 = tpu.memref_squeeze %dma_wait3A_36 : memref<1x1x10000xf32, #tpu.memory_space<hbm>> -> memref<10000xf32, #tpu.memory_space<hbm>>
        tpu.wait_dma2 semaphore(%run_scoped3A_33 : memref<!tpu.dma_semaphore, #tpu.memory_space<semaphore_mem>>) src(%arg8 : memref<10000xf32, #tpu.memory_space<vmem_shared>>) dst(%dma_wait3A_37 : memref<10000xf32, #tpu.memory_space<hbm>>)
        tpu.yield
      }) : () -> ()
      %run_scoped3A_32 = arith.constant 1 : i32
      "tpu.region"() ({
        %run_scoped3A_33 = tpu.sem_alloc : memref<!tpu.dma_semaphore, #tpu.memory_space<semaphore_mem>>
        %dma_start3A = arith.constant 0 : i32
        %dma_start3A_34 = tpu.memref_slice %arg4[%arg0, %run_scoped3A_32, %dma_start3A] : memref<2x2x10000xf32, #tpu.memory_space<hbm>> -> memref<1x1x10000xf32, #tpu.memory_space<hbm>>
        %dma_start3A_35 = tpu.memref_squeeze %dma_start3A_34 : memref<1x1x10000xf32, #tpu.memory_space<hbm>> -> memref<10000xf32, #tpu.memory_space<hbm>>
        tpu.enqueue_dma source(%arg9 : memref<10000xf32, #tpu.memory_space<vmem_shared>>) target(%dma_start3A_35 : memref<10000xf32, #tpu.memory_space<hbm>>) target_semaphore(%run_scoped3A_33 : memref<!tpu.dma_semaphore, #tpu.memory_space<semaphore_mem>>)
        %dma_wait3A = arith.constant 0 : i32
        %dma_wait3A_36 = tpu.memref_slice %arg4[%arg0, %run_scoped3A_32, %dma_wait3A] : memref<2x2x10000xf32, #tpu.memory_space<hbm>> -> memref<1x1x10000xf32, #tpu.memory_space<hbm>>
        %dma_wait3A_37 = tpu.memref_squeeze %dma_wait3A_36 : memref<1x1x10000xf32, #tpu.memory_space<hbm>> -> memref<10000xf32, #tpu.memory_space<hbm>>
        tpu.wait_dma2 semaphore(%run_scoped3A_33 : memref<!tpu.dma_semaphore, #tpu.memory_space<semaphore_mem>>) src(%arg9 : memref<10000xf32, #tpu.memory_space<vmem_shared>>) dst(%dma_wait3A_37 : memref<10000xf32, #tpu.memory_space<hbm>>)
        tpu.yield
      }) : () -> ()
    } else {
    }
    return
  }
}

#map = affine_map<(d0, d1) -> (0, 0)>
#map1 = affine_map<(d0, d1) -> (0)>
#map2 = affine_map<(d0, d1) -> (0, 0, 0)>
module attributes {stable_mosaic.version = 14 : i64} {
  func.func @body(%arg0: i32, %arg1: i32, %arg2: memref<10000x128xf32, #tpu.memory_space<hbm>>, %arg3: memref<320000xi32, #tpu.memory_space<hbm>>, %arg4: memref<320000xi32, #tpu.memory_space<hbm>>, %arg5: memref<2x10000x128xf32, #tpu.memory_space<hbm>>, %arg6: memref<2x80xi32, #tpu.memory_space<vmem>>, %arg7: memref<80x128xf32, #tpu.memory_space<vmem>>, %arg8: memref<10000x128xf32, #tpu.memory_space<vmem_shared>>, %arg9: memref<!tpu.dma_semaphore, #tpu.memory_space<semaphore_mem>>) attributes {dimension_semantics = [#tpu.dimension_semantics<core_parallel>, #tpu.dimension_semantics<subcore_parallel>], iteration_bounds = array<i64: 2, 16>, scalar_prefetch = 0 : i64, scratch_operands = 4 : i64, tpu.core_type = #tpu.core_type<sc_vector_subcore>, window_params = [{transform_indices = #map}, {transform_indices = #map1}, {transform_indices = #map1}, {transform_indices = #map2}]} {
    %mul3A = arith.constant 2 : i32
    %mul3A_0 = arith.muli %arg1, %mul3A : i32
    %add3A = arith.addi %mul3A_0, %arg0 : i32
    %mul3A_1 = arith.constant 10000 : i32
    %mul3A_2 = arith.muli %add3A, %mul3A_1 : i32
    %scan3A = arith.constant 0 : i32
    %scan3A_3 = arith.constant 0 : i32
    %scan3A_4 = arith.constant 640 : i32
    %scan3A_5 = arith.addi %scan3A_3, %scan3A_4 : i32
    %scan3A_6 = arith.constant 1 : i32
    scf.for %scan3A_31 = %scan3A_3 to %scan3A_5 step %scan3A_6  : i32 {
      %jit3A = arith.constant 8 : i32
      %div3A = arith.divsi %scan3A_31, %jit3A : i32
      %sign3A = arith.constant 0 : i32
      %sign3A_32 = arith.cmpi sgt, %scan3A_31, %sign3A : i32
      %sign3A_33 = arith.extui %sign3A_32 : i1 to i32
      %sign3A_34 = arith.constant 0 : i32
      %sign3A_35 = arith.cmpi slt, %scan3A_31, %sign3A_34 : i32
      %sign3A_36 = arith.extui %sign3A_35 : i1 to i32
      %sign3A_37 = arith.subi %sign3A_33, %sign3A_36 : i32
      %sign3A_38 = arith.constant 0 : i32
      %sign3A_39 = arith.cmpi sgt, %jit3A, %sign3A_38 : i32
      %sign3A_40 = arith.extui %sign3A_39 : i1 to i32
      %sign3A_41 = arith.constant 0 : i32
      %sign3A_42 = arith.cmpi slt, %jit3A, %sign3A_41 : i32
      %sign3A_43 = arith.extui %sign3A_42 : i1 to i32
      %sign3A_44 = arith.subi %sign3A_40, %sign3A_43 : i32
      %ne3A = arith.cmpi ne, %sign3A_37, %sign3A_44 : i32
      %rem3A = arith.remsi %scan3A_31, %jit3A : i32
      %ne3A_45 = arith.constant 0 : i32
      %ne3A_46 = arith.cmpi ne, %rem3A, %ne3A_45 : i32
      %and3A = arith.andi %ne3A, %ne3A_46 : i1
      %sub3A = arith.constant 1 : i32
      %sub3A_47 = arith.subi %div3A, %sub3A : i32
      %select_n3A = arith.select %and3A, %sub3A_47, %div3A : i32
      %jit3A_48 = arith.constant 8 : i32
      %eq3A_49 = arith.constant 0 : i32
      %eq3A_50 = arith.cmpi eq, %jit3A_48, %eq3A_49 : i32
      %jit3A_51 = arith.constant 1 : i32
      %select_n3A_52 = arith.select %eq3A_50, %jit3A_51, %jit3A_48 : i32
      %rem3A_53 = arith.remsi %scan3A_31, %select_n3A_52 : i32
      %ne3A_54 = arith.constant 0 : i32
      %ne3A_55 = arith.cmpi ne, %rem3A_53, %ne3A_54 : i32
      %lt3A_56 = arith.constant 0 : i32
      %lt3A_57 = arith.cmpi slt, %rem3A_53, %lt3A_56 : i32
      %lt3A_58 = arith.constant 0 : i32
      %lt3A_59 = arith.cmpi slt, %select_n3A_52, %lt3A_58 : i32
      %ne3A_60 = arith.xori %lt3A_57, %lt3A_59 : i1
      %and3A_61 = arith.andi %ne3A_60, %ne3A_55 : i1
      %add3A_62 = arith.addi %rem3A_53, %select_n3A_52 : i32
      %select_n3A_63 = arith.select %and3A_61, %add3A_62, %rem3A_53 : i32
      %broadcast_in_dim3A = arith.constant 0.000000e+00 : f32
      %broadcast_in_dim3A_64 = vector.broadcast %broadcast_in_dim3A : f32 to vector<16xf32>
      %mul3A_65 = arith.constant 16 : i32
      %mul3A_66 = arith.muli %select_n3A_63, %mul3A_65 : i32
      %swap3A = arith.index_cast %select_n3A : i32 to index
      %swap3A_67 = arith.index_cast %mul3A_66 : i32 to index
      %swap3A_68 = tpu.vector_load %arg7[%swap3A, %swap3A_67] {strides = array<i32>} : memref<80x128xf32, #tpu.memory_space<vmem>>, vector<1x16xf32>,
      %swap3A_69 = vector.shape_cast %swap3A_68 : vector<1x16xf32> to vector<16xf32>
      %swap3A_70 = vector.shape_cast %broadcast_in_dim3A_64 : vector<16xf32> to vector<1x16xf32>
      tpu.vector_store %arg7[%swap3A, %swap3A_67], %swap3A_70 {strides = array<i32>} : memref<80x128xf32, #tpu.memory_space<vmem>>, vector<1x16xf32>,
    }
    %scan3A_7 = arith.constant 640 : i32
    %lt3A = arith.constant 15 : i32
    %lt3A_8 = arith.cmpi slt, %arg1, %lt3A : i32
    %convert_element_type3A = arith.extui %lt3A_8 : i1 to i32
    %cond3A = arith.constant 0 : i32
    %cond3A_9 = arith.cmpi ne, %convert_element_type3A, %cond3A : i32
    scf.if %cond3A_9 {
      %mul3A_31 = arith.constant 632 : i32
      %mul3A_32 = arith.muli %arg1, %mul3A_31 : i32
      %add3A_33 = arith.constant 0 : i32
      %add3A_34 = arith.addi %mul3A_32, %add3A_33 : i32
      "tpu.region"() ({
        %run_scoped3A = tpu.sem_alloc : memref<!tpu.dma_semaphore, #tpu.memory_space<semaphore_mem>>
        %dma_start3A = arith.constant 0 : i32
        %dma_start3A_49 = tpu.memref_slice %arg8[%add3A_34, %dma_start3A] : memref<10000x128xf32, #tpu.memory_space<vmem_shared>> -> memref<80x128xf32, #tpu.memory_space<vmem_shared>>
        %dma_start3A_50 = arith.constant 0 : i32
        %dma_start3A_51 = tpu.memref_slice %arg8[%add3A_34, %dma_start3A_50] : memref<10000x128xf32, #tpu.memory_space<vmem_shared>> -> memref<80x128xf32, #tpu.memory_space<vmem_shared>>
        tpu.enqueue_dma source(%arg7 : memref<80x128xf32, #tpu.memory_space<vmem>>) target(%dma_start3A_51 : memref<80x128xf32, #tpu.memory_space<vmem_shared>>) target_semaphore(%run_scoped3A : memref<!tpu.dma_semaphore, #tpu.memory_space<semaphore_mem>>)
        %dma_wait3A = arith.constant 0 : i32
        %dma_wait3A_52 = tpu.memref_slice %arg8[%add3A_34, %dma_wait3A] : memref<10000x128xf32, #tpu.memory_space<vmem_shared>> -> memref<80x128xf32, #tpu.memory_space<vmem_shared>>
        %dma_wait3A_53 = arith.constant 0 : i32
        %dma_wait3A_54 = tpu.memref_slice %arg8[%add3A_34, %dma_wait3A_53] : memref<10000x128xf32, #tpu.memory_space<vmem_shared>> -> memref<80x128xf32, #tpu.memory_space<vmem_shared>>
        tpu.wait_dma2 semaphore(%run_scoped3A : memref<!tpu.dma_semaphore, #tpu.memory_space<semaphore_mem>>) src(%arg7 : memref<80x128xf32, #tpu.memory_space<vmem>>) dst(%dma_wait3A_54 : memref<80x128xf32, #tpu.memory_space<vmem_shared>>)
        tpu.yield
      }) : () -> ()
      %add3A_35 = arith.constant 80 : i32
      %add3A_36 = arith.addi %mul3A_32, %add3A_35 : i32
      "tpu.region"() ({
        %run_scoped3A = tpu.sem_alloc : memref<!tpu.dma_semaphore, #tpu.memory_space<semaphore_mem>>
        %dma_start3A = arith.constant 0 : i32
        %dma_start3A_49 = tpu.memref_slice %arg8[%add3A_36, %dma_start3A] : memref<10000x128xf32, #tpu.memory_space<vmem_shared>> -> memref<80x128xf32, #tpu.memory_space<vmem_shared>>
        %dma_start3A_50 = arith.constant 0 : i32
        %dma_start3A_51 = tpu.memref_slice %arg8[%add3A_36, %dma_start3A_50] : memref<10000x128xf32, #tpu.memory_space<vmem_shared>> -> memref<80x128xf32, #tpu.memory_space<vmem_shared>>
        tpu.enqueue_dma source(%arg7 : memref<80x128xf32, #tpu.memory_space<vmem>>) target(%dma_start3A_51 : memref<80x128xf32, #tpu.memory_space<vmem_shared>>) target_semaphore(%run_scoped3A : memref<!tpu.dma_semaphore, #tpu.memory_space<semaphore_mem>>)
        %dma_wait3A = arith.constant 0 : i32
        %dma_wait3A_52 = tpu.memref_slice %arg8[%add3A_36, %dma_wait3A] : memref<10000x128xf32, #tpu.memory_space<vmem_shared>> -> memref<80x128xf32, #tpu.memory_space<vmem_shared>>
        %dma_wait3A_53 = arith.constant 0 : i32
        %dma_wait3A_54 = tpu.memref_slice %arg8[%add3A_36, %dma_wait3A_53] : memref<10000x128xf32, #tpu.memory_space<vmem_shared>> -> memref<80x128xf32, #tpu.memory_space<vmem_shared>>
        tpu.wait_dma2 semaphore(%run_scoped3A : memref<!tpu.dma_semaphore, #tpu.memory_space<semaphore_mem>>) src(%arg7 : memref<80x128xf32, #tpu.memory_space<vmem>>) dst(%dma_wait3A_54 : memref<80x128xf32, #tpu.memory_space<vmem_shared>>)
        tpu.yield
      }) : () -> ()
      %add3A_37 = arith.constant 160 : i32
      %add3A_38 = arith.addi %mul3A_32, %add3A_37 : i32
      "tpu.region"() ({
        %run_scoped3A = tpu.sem_alloc : memref<!tpu.dma_semaphore, #tpu.memory_space<semaphore_mem>>
        %dma_start3A = arith.constant 0 : i32
        %dma_start3A_49 = tpu.memref_slice %arg8[%add3A_38, %dma_start3A] : memref<10000x128xf32, #tpu.memory_space<vmem_shared>> -> memref<80x128xf32, #tpu.memory_space<vmem_shared>>
        %dma_start3A_50 = arith.constant 0 : i32
        %dma_start3A_51 = tpu.memref_slice %arg8[%add3A_38, %dma_start3A_50] : memref<10000x128xf32, #tpu.memory_space<vmem_shared>> -> memref<80x128xf32, #tpu.memory_space<vmem_shared>>
        tpu.enqueue_dma source(%arg7 : memref<80x128xf32, #tpu.memory_space<vmem>>) target(%dma_start3A_51 : memref<80x128xf32, #tpu.memory_space<vmem_shared>>) target_semaphore(%run_scoped3A : memref<!tpu.dma_semaphore, #tpu.memory_space<semaphore_mem>>)
        %dma_wait3A = arith.constant 0 : i32
        %dma_wait3A_52 = tpu.memref_slice %arg8[%add3A_38, %dma_wait3A] : memref<10000x128xf32, #tpu.memory_space<vmem_shared>> -> memref<80x128xf32, #tpu.memory_space<vmem_shared>>
        %dma_wait3A_53 = arith.constant 0 : i32
        %dma_wait3A_54 = tpu.memref_slice %arg8[%add3A_38, %dma_wait3A_53] : memref<10000x128xf32, #tpu.memory_space<vmem_shared>> -> memref<80x128xf32, #tpu.memory_space<vmem_shared>>
        tpu.wait_dma2 semaphore(%run_scoped3A : memref<!tpu.dma_semaphore, #tpu.memory_space<semaphore_mem>>) src(%arg7 : memref<80x128xf32, #tpu.memory_space<vmem>>) dst(%dma_wait3A_54 : memref<80x128xf32, #tpu.memory_space<vmem_shared>>)
        tpu.yield
      }) : () -> ()
      %add3A_39 = arith.constant 240 : i32
      %add3A_40 = arith.addi %mul3A_32, %add3A_39 : i32
      "tpu.region"() ({
        %run_scoped3A = tpu.sem_alloc : memref<!tpu.dma_semaphore, #tpu.memory_space<semaphore_mem>>
        %dma_start3A = arith.constant 0 : i32
        %dma_start3A_49 = tpu.memref_slice %arg8[%add3A_40, %dma_start3A] : memref<10000x128xf32, #tpu.memory_space<vmem_shared>> -> memref<80x128xf32, #tpu.memory_space<vmem_shared>>
        %dma_start3A_50 = arith.constant 0 : i32
        %dma_start3A_51 = tpu.memref_slice %arg8[%add3A_40, %dma_start3A_50] : memref<10000x128xf32, #tpu.memory_space<vmem_shared>> -> memref<80x128xf32, #tpu.memory_space<vmem_shared>>
        tpu.enqueue_dma source(%arg7 : memref<80x128xf32, #tpu.memory_space<vmem>>) target(%dma_start3A_51 : memref<80x128xf32, #tpu.memory_space<vmem_shared>>) target_semaphore(%run_scoped3A : memref<!tpu.dma_semaphore, #tpu.memory_space<semaphore_mem>>)
        %dma_wait3A = arith.constant 0 : i32
        %dma_wait3A_52 = tpu.memref_slice %arg8[%add3A_40, %dma_wait3A] : memref<10000x128xf32, #tpu.memory_space<vmem_shared>> -> memref<80x128xf32, #tpu.memory_space<vmem_shared>>
        %dma_wait3A_53 = arith.constant 0 : i32
        %dma_wait3A_54 = tpu.memref_slice %arg8[%add3A_40, %dma_wait3A_53] : memref<10000x128xf32, #tpu.memory_space<vmem_shared>> -> memref<80x128xf32, #tpu.memory_space<vmem_shared>>
        tpu.wait_dma2 semaphore(%run_scoped3A : memref<!tpu.dma_semaphore, #tpu.memory_space<semaphore_mem>>) src(%arg7 : memref<80x128xf32, #tpu.memory_space<vmem>>) dst(%dma_wait3A_54 : memref<80x128xf32, #tpu.memory_space<vmem_shared>>)
        tpu.yield
      }) : () -> ()
      %add3A_41 = arith.constant 320 : i32
      %add3A_42 = arith.addi %mul3A_32, %add3A_41 : i32
      "tpu.region"() ({
        %run_scoped3A = tpu.sem_alloc : memref<!tpu.dma_semaphore, #tpu.memory_space<semaphore_mem>>
        %dma_start3A = arith.constant 0 : i32
        %dma_start3A_49 = tpu.memref_slice %arg8[%add3A_42, %dma_start3A] : memref<10000x128xf32, #tpu.memory_space<vmem_shared>> -> memref<80x128xf32, #tpu.memory_space<vmem_shared>>
        %dma_start3A_50 = arith.constant 0 : i32
        %dma_start3A_51 = tpu.memref_slice %arg8[%add3A_42, %dma_start3A_50] : memref<10000x128xf32, #tpu.memory_space<vmem_shared>> -> memref<80x128xf32, #tpu.memory_space<vmem_shared>>
        tpu.enqueue_dma source(%arg7 : memref<80x128xf32, #tpu.memory_space<vmem>>) target(%dma_start3A_51 : memref<80x128xf32, #tpu.memory_space<vmem_shared>>) target_semaphore(%run_scoped3A : memref<!tpu.dma_semaphore, #tpu.memory_space<semaphore_mem>>)
        %dma_wait3A = arith.constant 0 : i32
        %dma_wait3A_52 = tpu.memref_slice %arg8[%add3A_42, %dma_wait3A] : memref<10000x128xf32, #tpu.memory_space<vmem_shared>> -> memref<80x128xf32, #tpu.memory_space<vmem_shared>>
        %dma_wait3A_53 = arith.constant 0 : i32
        %dma_wait3A_54 = tpu.memref_slice %arg8[%add3A_42, %dma_wait3A_53] : memref<10000x128xf32, #tpu.memory_space<vmem_shared>> -> memref<80x128xf32, #tpu.memory_space<vmem_shared>>
        tpu.wait_dma2 semaphore(%run_scoped3A : memref<!tpu.dma_semaphore, #tpu.memory_space<semaphore_mem>>) src(%arg7 : memref<80x128xf32, #tpu.memory_space<vmem>>) dst(%dma_wait3A_54 : memref<80x128xf32, #tpu.memory_space<vmem_shared>>)
        tpu.yield
      }) : () -> ()
      %add3A_43 = arith.constant 400 : i32
      %add3A_44 = arith.addi %mul3A_32, %add3A_43 : i32
      "tpu.region"() ({
        %run_scoped3A = tpu.sem_alloc : memref<!tpu.dma_semaphore, #tpu.memory_space<semaphore_mem>>
        %dma_start3A = arith.constant 0 : i32
        %dma_start3A_49 = tpu.memref_slice %arg8[%add3A_44, %dma_start3A] : memref<10000x128xf32, #tpu.memory_space<vmem_shared>> -> memref<80x128xf32, #tpu.memory_space<vmem_shared>>
        %dma_start3A_50 = arith.constant 0 : i32
        %dma_start3A_51 = tpu.memref_slice %arg8[%add3A_44, %dma_start3A_50] : memref<10000x128xf32, #tpu.memory_space<vmem_shared>> -> memref<80x128xf32, #tpu.memory_space<vmem_shared>>
        tpu.enqueue_dma source(%arg7 : memref<80x128xf32, #tpu.memory_space<vmem>>) target(%dma_start3A_51 : memref<80x128xf32, #tpu.memory_space<vmem_shared>>) target_semaphore(%run_scoped3A : memref<!tpu.dma_semaphore, #tpu.memory_space<semaphore_mem>>)
        %dma_wait3A = arith.constant 0 : i32
        %dma_wait3A_52 = tpu.memref_slice %arg8[%add3A_44, %dma_wait3A] : memref<10000x128xf32, #tpu.memory_space<vmem_shared>> -> memref<80x128xf32, #tpu.memory_space<vmem_shared>>
        %dma_wait3A_53 = arith.constant 0 : i32
        %dma_wait3A_54 = tpu.memref_slice %arg8[%add3A_44, %dma_wait3A_53] : memref<10000x128xf32, #tpu.memory_space<vmem_shared>> -> memref<80x128xf32, #tpu.memory_space<vmem_shared>>
        tpu.wait_dma2 semaphore(%run_scoped3A : memref<!tpu.dma_semaphore, #tpu.memory_space<semaphore_mem>>) src(%arg7 : memref<80x128xf32, #tpu.memory_space<vmem>>) dst(%dma_wait3A_54 : memref<80x128xf32, #tpu.memory_space<vmem_shared>>)
        tpu.yield
      }) : () -> ()
      %add3A_45 = arith.constant 480 : i32
      %add3A_46 = arith.addi %mul3A_32, %add3A_45 : i32
      "tpu.region"() ({
        %run_scoped3A = tpu.sem_alloc : memref<!tpu.dma_semaphore, #tpu.memory_space<semaphore_mem>>
        %dma_start3A = arith.constant 0 : i32
        %dma_start3A_49 = tpu.memref_slice %arg8[%add3A_46, %dma_start3A] : memref<10000x128xf32, #tpu.memory_space<vmem_shared>> -> memref<80x128xf32, #tpu.memory_space<vmem_shared>>
        %dma_start3A_50 = arith.constant 0 : i32
        %dma_start3A_51 = tpu.memref_slice %arg8[%add3A_46, %dma_start3A_50] : memref<10000x128xf32, #tpu.memory_space<vmem_shared>> -> memref<80x128xf32, #tpu.memory_space<vmem_shared>>
        tpu.enqueue_dma source(%arg7 : memref<80x128xf32, #tpu.memory_space<vmem>>) target(%dma_start3A_51 : memref<80x128xf32, #tpu.memory_space<vmem_shared>>) target_semaphore(%run_scoped3A : memref<!tpu.dma_semaphore, #tpu.memory_space<semaphore_mem>>)
        %dma_wait3A = arith.constant 0 : i32
        %dma_wait3A_52 = tpu.memref_slice %arg8[%add3A_46, %dma_wait3A] : memref<10000x128xf32, #tpu.memory_space<vmem_shared>> -> memref<80x128xf32, #tpu.memory_space<vmem_shared>>
        %dma_wait3A_53 = arith.constant 0 : i32
        %dma_wait3A_54 = tpu.memref_slice %arg8[%add3A_46, %dma_wait3A_53] : memref<10000x128xf32, #tpu.memory_space<vmem_shared>> -> memref<80x128xf32, #tpu.memory_space<vmem_shared>>
        tpu.wait_dma2 semaphore(%run_scoped3A : memref<!tpu.dma_semaphore, #tpu.memory_space<semaphore_mem>>) src(%arg7 : memref<80x128xf32, #tpu.memory_space<vmem>>) dst(%dma_wait3A_54 : memref<80x128xf32, #tpu.memory_space<vmem_shared>>)
        tpu.yield
      }) : () -> ()
      %add3A_47 = arith.constant 560 : i32
      %add3A_48 = arith.addi %mul3A_32, %add3A_47 : i32
      "tpu.region"() ({
        %run_scoped3A = tpu.sem_alloc : memref<!tpu.dma_semaphore, #tpu.memory_space<semaphore_mem>>
        %dma_start3A = arith.constant 0 : i32
        %dma_start3A_49 = arith.constant 0 : i32
        %dma_start3A_50 = tpu.memref_slice %arg7[%dma_start3A, %dma_start3A_49] : memref<80x128xf32, #tpu.memory_space<vmem>> -> memref<72x128xf32, #tpu.memory_space<vmem>>
        %dma_start3A_51 = arith.constant 0 : i32
        %dma_start3A_52 = tpu.memref_slice %arg8[%add3A_48, %dma_start3A_51] : memref<10000x128xf32, #tpu.memory_space<vmem_shared>> -> memref<72x128xf32, #tpu.memory_space<vmem_shared>>
        %dma_start3A_53 = arith.constant 0 : i32
        %dma_start3A_54 = tpu.memref_slice %arg8[%add3A_48, %dma_start3A_53] : memref<10000x128xf32, #tpu.memory_space<vmem_shared>> -> memref<72x128xf32, #tpu.memory_space<vmem_shared>>
        %dma_start3A_55 = arith.constant 0 : i32
        %dma_start3A_56 = arith.constant 0 : i32
        %dma_start3A_57 = tpu.memref_slice %arg7[%dma_start3A_55, %dma_start3A_56] : memref<80x128xf32, #tpu.memory_space<vmem>> -> memref<72x128xf32, #tpu.memory_space<vmem>>
        tpu.enqueue_dma source(%dma_start3A_57 : memref<72x128xf32, #tpu.memory_space<vmem>>) target(%dma_start3A_54 : memref<72x128xf32, #tpu.memory_space<vmem_shared>>) target_semaphore(%run_scoped3A : memref<!tpu.dma_semaphore, #tpu.memory_space<semaphore_mem>>)
        %dma_wait3A = arith.constant 0 : i32
        %dma_wait3A_58 = arith.constant 0 : i32
        %dma_wait3A_59 = tpu.memref_slice %arg7[%dma_wait3A, %dma_wait3A_58] : memref<80x128xf32, #tpu.memory_space<vmem>> -> memref<72x128xf32, #tpu.memory_space<vmem>>
        %dma_wait3A_60 = arith.constant 0 : i32
        %dma_wait3A_61 = tpu.memref_slice %arg8[%add3A_48, %dma_wait3A_60] : memref<10000x128xf32, #tpu.memory_space<vmem_shared>> -> memref<72x128xf32, #tpu.memory_space<vmem_shared>>
        %dma_wait3A_62 = arith.constant 0 : i32
        %dma_wait3A_63 = tpu.memref_slice %arg8[%add3A_48, %dma_wait3A_62] : memref<10000x128xf32, #tpu.memory_space<vmem_shared>> -> memref<72x128xf32, #tpu.memory_space<vmem_shared>>
        %dma_wait3A_64 = arith.constant 0 : i32
        %dma_wait3A_65 = arith.constant 0 : i32
        %dma_wait3A_66 = tpu.memref_slice %arg7[%dma_wait3A_64, %dma_wait3A_65] : memref<80x128xf32, #tpu.memory_space<vmem>> -> memref<72x128xf32, #tpu.memory_space<vmem>>
        tpu.wait_dma2 semaphore(%run_scoped3A : memref<!tpu.dma_semaphore, #tpu.memory_space<semaphore_mem>>) src(%dma_wait3A_66 : memref<72x128xf32, #tpu.memory_space<vmem>>) dst(%dma_wait3A_63 : memref<72x128xf32, #tpu.memory_space<vmem_shared>>)
        tpu.yield
      }) : () -> ()
    } else {
    }
    %eq3A = arith.constant 15 : i32
    %eq3A_10 = arith.cmpi eq, %arg1, %eq3A : i32
    %convert_element_type3A_11 = arith.extui %eq3A_10 : i1 to i32
    %cond3A_12 = arith.constant 0 : i32
    %cond3A_13 = arith.cmpi ne, %convert_element_type3A_11, %cond3A_12 : i32
    scf.if %cond3A_13 {
      "tpu.region"() ({
        %run_scoped3A = tpu.sem_alloc : memref<!tpu.dma_semaphore, #tpu.memory_space<semaphore_mem>>
        %dma_start3A = arith.constant 9480 : i32
        %dma_start3A_31 = arith.constant 0 : i32
        %dma_start3A_32 = tpu.memref_slice %arg8[%dma_start3A, %dma_start3A_31] : memref<10000x128xf32, #tpu.memory_space<vmem_shared>> -> memref<80x128xf32, #tpu.memory_space<vmem_shared>>
        %dma_start3A_33 = arith.constant 9480 : i32
        %dma_start3A_34 = arith.constant 0 : i32
        %dma_start3A_35 = tpu.memref_slice %arg8[%dma_start3A_33, %dma_start3A_34] : memref<10000x128xf32, #tpu.memory_space<vmem_shared>> -> memref<80x128xf32, #tpu.memory_space<vmem_shared>>
        tpu.enqueue_dma source(%arg7 : memref<80x128xf32, #tpu.memory_space<vmem>>) target(%dma_start3A_35 : memref<80x128xf32, #tpu.memory_space<vmem_shared>>) target_semaphore(%run_scoped3A : memref<!tpu.dma_semaphore, #tpu.memory_space<semaphore_mem>>)
        %dma_wait3A = arith.constant 9480 : i32
        %dma_wait3A_36 = arith.constant 0 : i32
        %dma_wait3A_37 = tpu.memref_slice %arg8[%dma_wait3A, %dma_wait3A_36] : memref<10000x128xf32, #tpu.memory_space<vmem_shared>> -> memref<80x128xf32, #tpu.memory_space<vmem_shared>>
        %dma_wait3A_38 = arith.constant 9480 : i32
        %dma_wait3A_39 = arith.constant 0 : i32
        %dma_wait3A_40 = tpu.memref_slice %arg8[%dma_wait3A_38, %dma_wait3A_39] : memref<10000x128xf32, #tpu.memory_space<vmem_shared>> -> memref<80x128xf32, #tpu.memory_space<vmem_shared>>
        tpu.wait_dma2 semaphore(%run_scoped3A : memref<!tpu.dma_semaphore, #tpu.memory_space<semaphore_mem>>) src(%arg7 : memref<80x128xf32, #tpu.memory_space<vmem>>) dst(%dma_wait3A_40 : memref<80x128xf32, #tpu.memory_space<vmem_shared>>)
        tpu.yield
      }) : () -> ()
      "tpu.region"() ({
        %run_scoped3A = tpu.sem_alloc : memref<!tpu.dma_semaphore, #tpu.memory_space<semaphore_mem>>
        %dma_start3A = arith.constant 9560 : i32
        %dma_start3A_31 = arith.constant 0 : i32
        %dma_start3A_32 = tpu.memref_slice %arg8[%dma_start3A, %dma_start3A_31] : memref<10000x128xf32, #tpu.memory_space<vmem_shared>> -> memref<80x128xf32, #tpu.memory_space<vmem_shared>>
        %dma_start3A_33 = arith.constant 9560 : i32
        %dma_start3A_34 = arith.constant 0 : i32
        %dma_start3A_35 = tpu.memref_slice %arg8[%dma_start3A_33, %dma_start3A_34] : memref<10000x128xf32, #tpu.memory_space<vmem_shared>> -> memref<80x128xf32, #tpu.memory_space<vmem_shared>>
        tpu.enqueue_dma source(%arg7 : memref<80x128xf32, #tpu.memory_space<vmem>>) target(%dma_start3A_35 : memref<80x128xf32, #tpu.memory_space<vmem_shared>>) target_semaphore(%run_scoped3A : memref<!tpu.dma_semaphore, #tpu.memory_space<semaphore_mem>>)
        %dma_wait3A = arith.constant 9560 : i32
        %dma_wait3A_36 = arith.constant 0 : i32
        %dma_wait3A_37 = tpu.memref_slice %arg8[%dma_wait3A, %dma_wait3A_36] : memref<10000x128xf32, #tpu.memory_space<vmem_shared>> -> memref<80x128xf32, #tpu.memory_space<vmem_shared>>
        %dma_wait3A_38 = arith.constant 9560 : i32
        %dma_wait3A_39 = arith.constant 0 : i32
        %dma_wait3A_40 = tpu.memref_slice %arg8[%dma_wait3A_38, %dma_wait3A_39] : memref<10000x128xf32, #tpu.memory_space<vmem_shared>> -> memref<80x128xf32, #tpu.memory_space<vmem_shared>>
        tpu.wait_dma2 semaphore(%run_scoped3A : memref<!tpu.dma_semaphore, #tpu.memory_space<semaphore_mem>>) src(%arg7 : memref<80x128xf32, #tpu.memory_space<vmem>>) dst(%dma_wait3A_40 : memref<80x128xf32, #tpu.memory_space<vmem_shared>>)
        tpu.yield
      }) : () -> ()
      "tpu.region"() ({
        %run_scoped3A = tpu.sem_alloc : memref<!tpu.dma_semaphore, #tpu.memory_space<semaphore_mem>>
        %dma_start3A = arith.constant 9640 : i32
        %dma_start3A_31 = arith.constant 0 : i32
        %dma_start3A_32 = tpu.memref_slice %arg8[%dma_start3A, %dma_start3A_31] : memref<10000x128xf32, #tpu.memory_space<vmem_shared>> -> memref<80x128xf32, #tpu.memory_space<vmem_shared>>
        %dma_start3A_33 = arith.constant 9640 : i32
        %dma_start3A_34 = arith.constant 0 : i32
        %dma_start3A_35 = tpu.memref_slice %arg8[%dma_start3A_33, %dma_start3A_34] : memref<10000x128xf32, #tpu.memory_space<vmem_shared>> -> memref<80x128xf32, #tpu.memory_space<vmem_shared>>
        tpu.enqueue_dma source(%arg7 : memref<80x128xf32, #tpu.memory_space<vmem>>) target(%dma_start3A_35 : memref<80x128xf32, #tpu.memory_space<vmem_shared>>) target_semaphore(%run_scoped3A : memref<!tpu.dma_semaphore, #tpu.memory_space<semaphore_mem>>)
        %dma_wait3A = arith.constant 9640 : i32
        %dma_wait3A_36 = arith.constant 0 : i32
        %dma_wait3A_37 = tpu.memref_slice %arg8[%dma_wait3A, %dma_wait3A_36] : memref<10000x128xf32, #tpu.memory_space<vmem_shared>> -> memref<80x128xf32, #tpu.memory_space<vmem_shared>>
        %dma_wait3A_38 = arith.constant 9640 : i32
        %dma_wait3A_39 = arith.constant 0 : i32
        %dma_wait3A_40 = tpu.memref_slice %arg8[%dma_wait3A_38, %dma_wait3A_39] : memref<10000x128xf32, #tpu.memory_space<vmem_shared>> -> memref<80x128xf32, #tpu.memory_space<vmem_shared>>
        tpu.wait_dma2 semaphore(%run_scoped3A : memref<!tpu.dma_semaphore, #tpu.memory_space<semaphore_mem>>) src(%arg7 : memref<80x128xf32, #tpu.memory_space<vmem>>) dst(%dma_wait3A_40 : memref<80x128xf32, #tpu.memory_space<vmem_shared>>)
        tpu.yield
      }) : () -> ()
      "tpu.region"() ({
        %run_scoped3A = tpu.sem_alloc : memref<!tpu.dma_semaphore, #tpu.memory_space<semaphore_mem>>
        %dma_start3A = arith.constant 9720 : i32
        %dma_start3A_31 = arith.constant 0 : i32
        %dma_start3A_32 = tpu.memref_slice %arg8[%dma_start3A, %dma_start3A_31] : memref<10000x128xf32, #tpu.memory_space<vmem_shared>> -> memref<80x128xf32, #tpu.memory_space<vmem_shared>>
        %dma_start3A_33 = arith.constant 9720 : i32
        %dma_start3A_34 = arith.constant 0 : i32
        %dma_start3A_35 = tpu.memref_slice %arg8[%dma_start3A_33, %dma_start3A_34] : memref<10000x128xf32, #tpu.memory_space<vmem_shared>> -> memref<80x128xf32, #tpu.memory_space<vmem_shared>>
        tpu.enqueue_dma source(%arg7 : memref<80x128xf32, #tpu.memory_space<vmem>>) target(%dma_start3A_35 : memref<80x128xf32, #tpu.memory_space<vmem_shared>>) target_semaphore(%run_scoped3A : memref<!tpu.dma_semaphore, #tpu.memory_space<semaphore_mem>>)
        %dma_wait3A = arith.constant 9720 : i32
        %dma_wait3A_36 = arith.constant 0 : i32
        %dma_wait3A_37 = tpu.memref_slice %arg8[%dma_wait3A, %dma_wait3A_36] : memref<10000x128xf32, #tpu.memory_space<vmem_shared>> -> memref<80x128xf32, #tpu.memory_space<vmem_shared>>
        %dma_wait3A_38 = arith.constant 9720 : i32
        %dma_wait3A_39 = arith.constant 0 : i32
        %dma_wait3A_40 = tpu.memref_slice %arg8[%dma_wait3A_38, %dma_wait3A_39] : memref<10000x128xf32, #tpu.memory_space<vmem_shared>> -> memref<80x128xf32, #tpu.memory_space<vmem_shared>>
        tpu.wait_dma2 semaphore(%run_scoped3A : memref<!tpu.dma_semaphore, #tpu.memory_space<semaphore_mem>>) src(%arg7 : memref<80x128xf32, #tpu.memory_space<vmem>>) dst(%dma_wait3A_40 : memref<80x128xf32, #tpu.memory_space<vmem_shared>>)
        tpu.yield
      }) : () -> ()
      "tpu.region"() ({
        %run_scoped3A = tpu.sem_alloc : memref<!tpu.dma_semaphore, #tpu.memory_space<semaphore_mem>>
        %dma_start3A = arith.constant 9800 : i32
        %dma_start3A_31 = arith.constant 0 : i32
        %dma_start3A_32 = tpu.memref_slice %arg8[%dma_start3A, %dma_start3A_31] : memref<10000x128xf32, #tpu.memory_space<vmem_shared>> -> memref<80x128xf32, #tpu.memory_space<vmem_shared>>
        %dma_start3A_33 = arith.constant 9800 : i32
        %dma_start3A_34 = arith.constant 0 : i32
        %dma_start3A_35 = tpu.memref_slice %arg8[%dma_start3A_33, %dma_start3A_34] : memref<10000x128xf32, #tpu.memory_space<vmem_shared>> -> memref<80x128xf32, #tpu.memory_space<vmem_shared>>
        tpu.enqueue_dma source(%arg7 : memref<80x128xf32, #tpu.memory_space<vmem>>) target(%dma_start3A_35 : memref<80x128xf32, #tpu.memory_space<vmem_shared>>) target_semaphore(%run_scoped3A : memref<!tpu.dma_semaphore, #tpu.memory_space<semaphore_mem>>)
        %dma_wait3A = arith.constant 9800 : i32
        %dma_wait3A_36 = arith.constant 0 : i32
        %dma_wait3A_37 = tpu.memref_slice %arg8[%dma_wait3A, %dma_wait3A_36] : memref<10000x128xf32, #tpu.memory_space<vmem_shared>> -> memref<80x128xf32, #tpu.memory_space<vmem_shared>>
        %dma_wait3A_38 = arith.constant 9800 : i32
        %dma_wait3A_39 = arith.constant 0 : i32
        %dma_wait3A_40 = tpu.memref_slice %arg8[%dma_wait3A_38, %dma_wait3A_39] : memref<10000x128xf32, #tpu.memory_space<vmem_shared>> -> memref<80x128xf32, #tpu.memory_space<vmem_shared>>
        tpu.wait_dma2 semaphore(%run_scoped3A : memref<!tpu.dma_semaphore, #tpu.memory_space<semaphore_mem>>) src(%arg7 : memref<80x128xf32, #tpu.memory_space<vmem>>) dst(%dma_wait3A_40 : memref<80x128xf32, #tpu.memory_space<vmem_shared>>)
        tpu.yield
      }) : () -> ()
      "tpu.region"() ({
        %run_scoped3A = tpu.sem_alloc : memref<!tpu.dma_semaphore, #tpu.memory_space<semaphore_mem>>
        %dma_start3A = arith.constant 9880 : i32
        %dma_start3A_31 = arith.constant 0 : i32
        %dma_start3A_32 = tpu.memref_slice %arg8[%dma_start3A, %dma_start3A_31] : memref<10000x128xf32, #tpu.memory_space<vmem_shared>> -> memref<80x128xf32, #tpu.memory_space<vmem_shared>>
        %dma_start3A_33 = arith.constant 9880 : i32
        %dma_start3A_34 = arith.constant 0 : i32
        %dma_start3A_35 = tpu.memref_slice %arg8[%dma_start3A_33, %dma_start3A_34] : memref<10000x128xf32, #tpu.memory_space<vmem_shared>> -> memref<80x128xf32, #tpu.memory_space<vmem_shared>>
        tpu.enqueue_dma source(%arg7 : memref<80x128xf32, #tpu.memory_space<vmem>>) target(%dma_start3A_35 : memref<80x128xf32, #tpu.memory_space<vmem_shared>>) target_semaphore(%run_scoped3A : memref<!tpu.dma_semaphore, #tpu.memory_space<semaphore_mem>>)
        %dma_wait3A = arith.constant 9880 : i32
        %dma_wait3A_36 = arith.constant 0 : i32
        %dma_wait3A_37 = tpu.memref_slice %arg8[%dma_wait3A, %dma_wait3A_36] : memref<10000x128xf32, #tpu.memory_space<vmem_shared>> -> memref<80x128xf32, #tpu.memory_space<vmem_shared>>
        %dma_wait3A_38 = arith.constant 9880 : i32
        %dma_wait3A_39 = arith.constant 0 : i32
        %dma_wait3A_40 = tpu.memref_slice %arg8[%dma_wait3A_38, %dma_wait3A_39] : memref<10000x128xf32, #tpu.memory_space<vmem_shared>> -> memref<80x128xf32, #tpu.memory_space<vmem_shared>>
        tpu.wait_dma2 semaphore(%run_scoped3A : memref<!tpu.dma_semaphore, #tpu.memory_space<semaphore_mem>>) src(%arg7 : memref<80x128xf32, #tpu.memory_space<vmem>>) dst(%dma_wait3A_40 : memref<80x128xf32, #tpu.memory_space<vmem_shared>>)
        tpu.yield
      }) : () -> ()
      "tpu.region"() ({
        %run_scoped3A = tpu.sem_alloc : memref<!tpu.dma_semaphore, #tpu.memory_space<semaphore_mem>>
        %dma_start3A = arith.constant 0 : i32
        %dma_start3A_31 = arith.constant 0 : i32
        %dma_start3A_32 = tpu.memref_slice %arg7[%dma_start3A, %dma_start3A_31] : memref<80x128xf32, #tpu.memory_space<vmem>> -> memref<40x128xf32, #tpu.memory_space<vmem>>
        %dma_start3A_33 = arith.constant 9960 : i32
        %dma_start3A_34 = arith.constant 0 : i32
        %dma_start3A_35 = tpu.memref_slice %arg8[%dma_start3A_33, %dma_start3A_34] : memref<10000x128xf32, #tpu.memory_space<vmem_shared>> -> memref<40x128xf32, #tpu.memory_space<vmem_shared>>
        %dma_start3A_36 = arith.constant 9960 : i32
        %dma_start3A_37 = arith.constant 0 : i32
        %dma_start3A_38 = tpu.memref_slice %arg8[%dma_start3A_36, %dma_start3A_37] : memref<10000x128xf32, #tpu.memory_space<vmem_shared>> -> memref<40x128xf32, #tpu.memory_space<vmem_shared>>
        %dma_start3A_39 = arith.constant 0 : i32
        %dma_start3A_40 = arith.constant 0 : i32
        %dma_start3A_41 = tpu.memref_slice %arg7[%dma_start3A_39, %dma_start3A_40] : memref<80x128xf32, #tpu.memory_space<vmem>> -> memref<40x128xf32, #tpu.memory_space<vmem>>
        tpu.enqueue_dma source(%dma_start3A_41 : memref<40x128xf32, #tpu.memory_space<vmem>>) target(%dma_start3A_38 : memref<40x128xf32, #tpu.memory_space<vmem_shared>>) target_semaphore(%run_scoped3A : memref<!tpu.dma_semaphore, #tpu.memory_space<semaphore_mem>>)
        %dma_wait3A = arith.constant 0 : i32
        %dma_wait3A_42 = arith.constant 0 : i32
        %dma_wait3A_43 = tpu.memref_slice %arg7[%dma_wait3A, %dma_wait3A_42] : memref<80x128xf32, #tpu.memory_space<vmem>> -> memref<40x128xf32, #tpu.memory_space<vmem>>
        %dma_wait3A_44 = arith.constant 9960 : i32
        %dma_wait3A_45 = arith.constant 0 : i32
        %dma_wait3A_46 = tpu.memref_slice %arg8[%dma_wait3A_44, %dma_wait3A_45] : memref<10000x128xf32, #tpu.memory_space<vmem_shared>> -> memref<40x128xf32, #tpu.memory_space<vmem_shared>>
        %dma_wait3A_47 = arith.constant 9960 : i32
        %dma_wait3A_48 = arith.constant 0 : i32
        %dma_wait3A_49 = tpu.memref_slice %arg8[%dma_wait3A_47, %dma_wait3A_48] : memref<10000x128xf32, #tpu.memory_space<vmem_shared>> -> memref<40x128xf32, #tpu.memory_space<vmem_shared>>
        %dma_wait3A_50 = arith.constant 0 : i32
        %dma_wait3A_51 = arith.constant 0 : i32
        %dma_wait3A_52 = tpu.memref_slice %arg7[%dma_wait3A_50, %dma_wait3A_51] : memref<80x128xf32, #tpu.memory_space<vmem>> -> memref<40x128xf32, #tpu.memory_space<vmem>>
        tpu.wait_dma2 semaphore(%run_scoped3A : memref<!tpu.dma_semaphore, #tpu.memory_space<semaphore_mem>>) src(%dma_wait3A_52 : memref<40x128xf32, #tpu.memory_space<vmem>>) dst(%dma_wait3A_49 : memref<40x128xf32, #tpu.memory_space<vmem_shared>>)
        tpu.yield
      }) : () -> ()
    } else {
    }
    %barrier3A = arith.constant 0 : index
    tpu.barrier barrier_id(%barrier3A)
    %scan3A_14 = arith.constant 0 : i32
    %scan3A_15 = arith.constant 0 : i32
    %scan3A_16 = arith.constant 125 : i32
    %scan3A_17 = arith.addi %scan3A_15, %scan3A_16 : i32
    %scan3A_18 = arith.constant 1 : i32
    scf.for %scan3A_31 = %scan3A_15 to %scan3A_17 step %scan3A_18  : i32 {
      %mul3A_32 = arith.constant 80 : i32
      %mul3A_33 = arith.muli %scan3A_31, %mul3A_32 : i32
      %add3A_34 = arith.addi %mul3A_2, %mul3A_33 : i32
      %run_scoped3A = arith.constant 0 : i32
      "tpu.region"() ({
        %run_scoped3A_49 = tpu.sem_alloc : memref<!tpu.dma_semaphore, #tpu.memory_space<semaphore_mem>>
        %dma_start3A_50 = arith.constant 0 : i32
        %dma_start3A_51 = tpu.memref_slice %arg6[%run_scoped3A, %dma_start3A_50] : memref<2x80xi32, #tpu.memory_space<vmem>> -> memref<1x80xi32, #tpu.memory_space<vmem>>
        %dma_start3A_52 = tpu.memref_squeeze %dma_start3A_51 : memref<1x80xi32, #tpu.memory_space<vmem>> -> memref<80xi32, #tpu.memory_space<vmem>>
        %dma_start3A_53 = tpu.memref_slice %arg3[%add3A_34] : memref<320000xi32, #tpu.memory_space<hbm>> -> memref<80xi32, #tpu.memory_space<hbm>>
        %dma_start3A_54 = arith.constant 0 : i32
        %dma_start3A_55 = tpu.memref_slice %arg6[%run_scoped3A, %dma_start3A_54] : memref<2x80xi32, #tpu.memory_space<vmem>> -> memref<1x80xi32, #tpu.memory_space<vmem>>
        %dma_start3A_56 = tpu.memref_squeeze %dma_start3A_55 : memref<1x80xi32, #tpu.memory_space<vmem>> -> memref<80xi32, #tpu.memory_space<vmem>>
        %dma_start3A_57 = tpu.memref_slice %arg3[%add3A_34] : memref<320000xi32, #tpu.memory_space<hbm>> -> memref<80xi32, #tpu.memory_space<hbm>>
        tpu.enqueue_dma source(%dma_start3A_57 : memref<80xi32, #tpu.memory_space<hbm>>) target(%dma_start3A_56 : memref<80xi32, #tpu.memory_space<vmem>>) target_semaphore(%run_scoped3A_49 : memref<!tpu.dma_semaphore, #tpu.memory_space<semaphore_mem>>)
        %dma_wait3A_58 = arith.constant 0 : i32
        %dma_wait3A_59 = tpu.memref_slice %arg6[%run_scoped3A, %dma_wait3A_58] : memref<2x80xi32, #tpu.memory_space<vmem>> -> memref<1x80xi32, #tpu.memory_space<vmem>>
        %dma_wait3A_60 = tpu.memref_squeeze %dma_wait3A_59 : memref<1x80xi32, #tpu.memory_space<vmem>> -> memref<80xi32, #tpu.memory_space<vmem>>
        %dma_wait3A_61 = tpu.memref_slice %arg3[%add3A_34] : memref<320000xi32, #tpu.memory_space<hbm>> -> memref<80xi32, #tpu.memory_space<hbm>>
        %dma_wait3A_62 = arith.constant 0 : i32
        %dma_wait3A_63 = tpu.memref_slice %arg6[%run_scoped3A, %dma_wait3A_62] : memref<2x80xi32, #tpu.memory_space<vmem>> -> memref<1x80xi32, #tpu.memory_space<vmem>>
        %dma_wait3A_64 = tpu.memref_squeeze %dma_wait3A_63 : memref<1x80xi32, #tpu.memory_space<vmem>> -> memref<80xi32, #tpu.memory_space<vmem>>
        %dma_wait3A_65 = tpu.memref_slice %arg3[%add3A_34] : memref<320000xi32, #tpu.memory_space<hbm>> -> memref<80xi32, #tpu.memory_space<hbm>>
        tpu.wait_dma2 semaphore(%run_scoped3A_49 : memref<!tpu.dma_semaphore, #tpu.memory_space<semaphore_mem>>) src(%dma_wait3A_65 : memref<80xi32, #tpu.memory_space<hbm>>) dst(%dma_wait3A_64 : memref<80xi32, #tpu.memory_space<vmem>>)
        tpu.yield
      }) : () -> ()
      %run_scoped3A_35 = arith.constant 1 : i32
      "tpu.region"() ({
        %run_scoped3A_49 = tpu.sem_alloc : memref<!tpu.dma_semaphore, #tpu.memory_space<semaphore_mem>>
        %dma_start3A_50 = arith.constant 0 : i32
        %dma_start3A_51 = tpu.memref_slice %arg6[%run_scoped3A_35, %dma_start3A_50] : memref<2x80xi32, #tpu.memory_space<vmem>> -> memref<1x80xi32, #tpu.memory_space<vmem>>
        %dma_start3A_52 = tpu.memref_squeeze %dma_start3A_51 : memref<1x80xi32, #tpu.memory_space<vmem>> -> memref<80xi32, #tpu.memory_space<vmem>>
        %dma_start3A_53 = tpu.memref_slice %arg4[%add3A_34] : memref<320000xi32, #tpu.memory_space<hbm>> -> memref<80xi32, #tpu.memory_space<hbm>>
        %dma_start3A_54 = arith.constant 0 : i32
        %dma_start3A_55 = tpu.memref_slice %arg6[%run_scoped3A_35, %dma_start3A_54] : memref<2x80xi32, #tpu.memory_space<vmem>> -> memref<1x80xi32, #tpu.memory_space<vmem>>
        %dma_start3A_56 = tpu.memref_squeeze %dma_start3A_55 : memref<1x80xi32, #tpu.memory_space<vmem>> -> memref<80xi32, #tpu.memory_space<vmem>>
        %dma_start3A_57 = tpu.memref_slice %arg4[%add3A_34] : memref<320000xi32, #tpu.memory_space<hbm>> -> memref<80xi32, #tpu.memory_space<hbm>>
        tpu.enqueue_dma source(%dma_start3A_57 : memref<80xi32, #tpu.memory_space<hbm>>) target(%dma_start3A_56 : memref<80xi32, #tpu.memory_space<vmem>>) target_semaphore(%run_scoped3A_49 : memref<!tpu.dma_semaphore, #tpu.memory_space<semaphore_mem>>)
        %dma_wait3A_58 = arith.constant 0 : i32
        %dma_wait3A_59 = tpu.memref_slice %arg6[%run_scoped3A_35, %dma_wait3A_58] : memref<2x80xi32, #tpu.memory_space<vmem>> -> memref<1x80xi32, #tpu.memory_space<vmem>>
        %dma_wait3A_60 = tpu.memref_squeeze %dma_wait3A_59 : memref<1x80xi32, #tpu.memory_space<vmem>> -> memref<80xi32, #tpu.memory_space<vmem>>
        %dma_wait3A_61 = tpu.memref_slice %arg4[%add3A_34] : memref<320000xi32, #tpu.memory_space<hbm>> -> memref<80xi32, #tpu.memory_space<hbm>>
        %dma_wait3A_62 = arith.constant 0 : i32
        %dma_wait3A_63 = tpu.memref_slice %arg6[%run_scoped3A_35, %dma_wait3A_62] : memref<2x80xi32, #tpu.memory_space<vmem>> -> memref<1x80xi32, #tpu.memory_space<vmem>>
        %dma_wait3A_64 = tpu.memref_squeeze %dma_wait3A_63 : memref<1x80xi32, #tpu.memory_space<vmem>> -> memref<80xi32, #tpu.memory_space<vmem>>
        %dma_wait3A_65 = tpu.memref_slice %arg4[%add3A_34] : memref<320000xi32, #tpu.memory_space<hbm>> -> memref<80xi32, #tpu.memory_space<hbm>>
        tpu.wait_dma2 semaphore(%run_scoped3A_49 : memref<!tpu.dma_semaphore, #tpu.memory_space<semaphore_mem>>) src(%dma_wait3A_65 : memref<80xi32, #tpu.memory_space<hbm>>) dst(%dma_wait3A_64 : memref<80xi32, #tpu.memory_space<vmem>>)
        tpu.yield
      }) : () -> ()
      %dma_start3A = arith.constant 0 : i32
      %dma_start3A_36 = arith.constant 0 : i32
      %dma_start3A_37 = tpu.memref_slice %arg6[%dma_start3A, %dma_start3A_36] : memref<2x80xi32, #tpu.memory_space<vmem>> -> memref<1x80xi32, #tpu.memory_space<vmem>>
      %dma_start3A_38 = tpu.memref_squeeze %dma_start3A_37 : memref<1x80xi32, #tpu.memory_space<vmem>> -> memref<80xi32, #tpu.memory_space<vmem>>
      %dma_start3A_39 = arith.constant 0 : i32
      %dma_start3A_40 = arith.constant 0 : i32
      %dma_start3A_41 = tpu.memref_slice %arg2[%dma_start3A_39, %dma_start3A_40] : memref<10000x128xf32, #tpu.memory_space<hbm>> -> memref<10000x128xf32, #tpu.memory_space<hbm>>
      tpu.enqueue_indirect_dma source(%dma_start3A_41 : memref<10000x128xf32, #tpu.memory_space<hbm>>) target(%arg7 : memref<80x128xf32, #tpu.memory_space<vmem>>) offsets(%dma_start3A_38 : memref<80xi32, #tpu.memory_space<vmem>>) semaphore(%arg9 : memref<!tpu.dma_semaphore, #tpu.memory_space<semaphore_mem>>)
      %dma_wait3A = arith.constant 0 : i32
      %dma_wait3A_42 = arith.constant 0 : i32
      %dma_wait3A_43 = tpu.memref_slice %arg6[%dma_wait3A, %dma_wait3A_42] : memref<2x80xi32, #tpu.memory_space<vmem>> -> memref<1x80xi32, #tpu.memory_space<vmem>>
      %dma_wait3A_44 = tpu.memref_squeeze %dma_wait3A_43 : memref<1x80xi32, #tpu.memory_space<vmem>> -> memref<80xi32, #tpu.memory_space<vmem>>
      %dma_wait3A_45 = arith.constant 0 : i32
      %dma_wait3A_46 = arith.constant 0 : i32
      %dma_wait3A_47 = tpu.memref_slice %arg2[%dma_wait3A_45, %dma_wait3A_46] : memref<10000x128xf32, #tpu.memory_space<hbm>> -> memref<10000x128xf32, #tpu.memory_space<hbm>>
      tpu.wait_indirect_dma semaphore(%arg9 : memref<!tpu.dma_semaphore, #tpu.memory_space<semaphore_mem>>) src(%dma_wait3A_47 : memref<10000x128xf32, #tpu.memory_space<hbm>>) dst(%arg7 : memref<80x128xf32, #tpu.memory_space<vmem>>)
      %run_scoped3A_48 = arith.constant 1 : i32
      "tpu.region"() ({
        %run_scoped3A_49 = tpu.sem_alloc : memref<!tpu.dma_semaphore, #tpu.memory_space<semaphore_mem>>
        %dma_start3A_50 = arith.constant 0 : i32
        %dma_start3A_51 = tpu.memref_slice %arg6[%run_scoped3A_48, %dma_start3A_50] : memref<2x80xi32, #tpu.memory_space<vmem>> -> memref<1x80xi32, #tpu.memory_space<vmem>>
        %dma_start3A_52 = tpu.memref_squeeze %dma_start3A_51 : memref<1x80xi32, #tpu.memory_space<vmem>> -> memref<80xi32, #tpu.memory_space<vmem>>
        %dma_start3A_53 = arith.constant 0 : i32
        %dma_start3A_54 = arith.constant 0 : i32
        %dma_start3A_55 = tpu.memref_slice %arg8[%dma_start3A_53, %dma_start3A_54] : memref<10000x128xf32, #tpu.memory_space<vmem_shared>> -> memref<10000x128xf32, #tpu.memory_space<vmem_shared>>
        tpu.enqueue_indirect_dma source(%arg7 : memref<80x128xf32, #tpu.memory_space<vmem>>) target(%dma_start3A_55 : memref<10000x128xf32, #tpu.memory_space<vmem_shared>>) offsets(%dma_start3A_52 : memref<80xi32, #tpu.memory_space<vmem>>) semaphore(%run_scoped3A_49 : memref<!tpu.dma_semaphore, #tpu.memory_space<semaphore_mem>>) {add = true}
        %dma_wait3A_56 = arith.constant 0 : i32
        %dma_wait3A_57 = tpu.memref_slice %arg6[%run_scoped3A_48, %dma_wait3A_56] : memref<2x80xi32, #tpu.memory_space<vmem>> -> memref<1x80xi32, #tpu.memory_space<vmem>>
        %dma_wait3A_58 = tpu.memref_squeeze %dma_wait3A_57 : memref<1x80xi32, #tpu.memory_space<vmem>> -> memref<80xi32, #tpu.memory_space<vmem>>
        %dma_wait3A_59 = arith.constant 0 : i32
        %dma_wait3A_60 = arith.constant 0 : i32
        %dma_wait3A_61 = tpu.memref_slice %arg8[%dma_wait3A_59, %dma_wait3A_60] : memref<10000x128xf32, #tpu.memory_space<vmem_shared>> -> memref<10000x128xf32, #tpu.memory_space<vmem_shared>>
        tpu.wait_indirect_dma semaphore(%run_scoped3A_49 : memref<!tpu.dma_semaphore, #tpu.memory_space<semaphore_mem>>) src(%arg7 : memref<80x128xf32, #tpu.memory_space<vmem>>) dst(%dma_wait3A_61 : memref<10000x128xf32, #tpu.memory_space<vmem_shared>>)
        tpu.yield
      }) : () -> ()
    }
    %scan3A_19 = arith.constant 125 : i32
    %barrier3A_20 = arith.constant 0 : index
    tpu.barrier barrier_id(%barrier3A_20)
    %lt3A_21 = arith.constant 15 : i32
    %lt3A_22 = arith.cmpi slt, %arg1, %lt3A_21 : i32
    %convert_element_type3A_23 = arith.extui %lt3A_22 : i1 to i32
    %cond3A_24 = arith.constant 0 : i32
    %cond3A_25 = arith.cmpi ne, %convert_element_type3A_23, %cond3A_24 : i32
    scf.if %cond3A_25 {
      %mul3A_31 = arith.constant 632 : i32
      %mul3A_32 = arith.muli %arg1, %mul3A_31 : i32
      %mul3A_33 = arith.constant 632 : i32
      %mul3A_34 = arith.muli %arg1, %mul3A_33 : i32
      "tpu.region"() ({
        %run_scoped3A = tpu.sem_alloc : memref<!tpu.dma_semaphore, #tpu.memory_space<semaphore_mem>>
        %dma_start3A = arith.constant 0 : i32
        %dma_start3A_35 = tpu.memref_slice %arg5[%arg0, %mul3A_34, %dma_start3A] : memref<2x10000x128xf32, #tpu.memory_space<hbm>> -> memref<1x632x128xf32, #tpu.memory_space<hbm>>
        %dma_start3A_36 = tpu.memref_squeeze %dma_start3A_35 : memref<1x632x128xf32, #tpu.memory_space<hbm>> -> memref<632x128xf32, #tpu.memory_space<hbm>>
        %dma_start3A_37 = arith.constant 0 : i32
        %dma_start3A_38 = tpu.memref_slice %arg8[%mul3A_32, %dma_start3A_37] : memref<10000x128xf32, #tpu.memory_space<vmem_shared>> -> memref<632x128xf32, #tpu.memory_space<vmem_shared>>
        tpu.enqueue_dma source(%dma_start3A_38 : memref<632x128xf32, #tpu.memory_space<vmem_shared>>) target(%dma_start3A_36 : memref<632x128xf32, #tpu.memory_space<hbm>>) target_semaphore(%run_scoped3A : memref<!tpu.dma_semaphore, #tpu.memory_space<semaphore_mem>>)
        %dma_wait3A = arith.constant 0 : i32
        %dma_wait3A_39 = tpu.memref_slice %arg5[%arg0, %mul3A_34, %dma_wait3A] : memref<2x10000x128xf32, #tpu.memory_space<hbm>> -> memref<1x632x128xf32, #tpu.memory_space<hbm>>
        %dma_wait3A_40 = tpu.memref_squeeze %dma_wait3A_39 : memref<1x632x128xf32, #tpu.memory_space<hbm>> -> memref<632x128xf32, #tpu.memory_space<hbm>>
        %dma_wait3A_41 = arith.constant 0 : i32
        %dma_wait3A_42 = tpu.memref_slice %arg8[%mul3A_32, %dma_wait3A_41] : memref<10000x128xf32, #tpu.memory_space<vmem_shared>> -> memref<632x128xf32, #tpu.memory_space<vmem_shared>>
        tpu.wait_dma2 semaphore(%run_scoped3A : memref<!tpu.dma_semaphore, #tpu.memory_space<semaphore_mem>>) src(%dma_wait3A_42 : memref<632x128xf32, #tpu.memory_space<vmem_shared>>) dst(%dma_wait3A_40 : memref<632x128xf32, #tpu.memory_space<hbm>>)
        tpu.yield
      }) : () -> ()
    } else {
    }
    %eq3A_26 = arith.constant 15 : i32
    %eq3A_27 = arith.cmpi eq, %arg1, %eq3A_26 : i32
    %convert_element_type3A_28 = arith.extui %eq3A_27 : i1 to i32
    %cond3A_29 = arith.constant 0 : i32
    %cond3A_30 = arith.cmpi ne, %convert_element_type3A_28, %cond3A_29 : i32
    scf.if %cond3A_30 {
      "tpu.region"() ({
        %run_scoped3A = tpu.sem_alloc : memref<!tpu.dma_semaphore, #tpu.memory_space<semaphore_mem>>
        %dma_start3A = arith.constant 9480 : i32
        %dma_start3A_31 = arith.constant 0 : i32
        %dma_start3A_32 = tpu.memref_slice %arg5[%arg0, %dma_start3A, %dma_start3A_31] : memref<2x10000x128xf32, #tpu.memory_space<hbm>> -> memref<1x520x128xf32, #tpu.memory_space<hbm>>
        %dma_start3A_33 = tpu.memref_squeeze %dma_start3A_32 : memref<1x520x128xf32, #tpu.memory_space<hbm>> -> memref<520x128xf32, #tpu.memory_space<hbm>>
        %dma_start3A_34 = arith.constant 9480 : i32
        %dma_start3A_35 = arith.constant 0 : i32
        %dma_start3A_36 = tpu.memref_slice %arg8[%dma_start3A_34, %dma_start3A_35] : memref<10000x128xf32, #tpu.memory_space<vmem_shared>> -> memref<520x128xf32, #tpu.memory_space<vmem_shared>>
        tpu.enqueue_dma source(%dma_start3A_36 : memref<520x128xf32, #tpu.memory_space<vmem_shared>>) target(%dma_start3A_33 : memref<520x128xf32, #tpu.memory_space<hbm>>) target_semaphore(%run_scoped3A : memref<!tpu.dma_semaphore, #tpu.memory_space<semaphore_mem>>)
        %dma_wait3A = arith.constant 9480 : i32
        %dma_wait3A_37 = arith.constant 0 : i32
        %dma_wait3A_38 = tpu.memref_slice %arg5[%arg0, %dma_wait3A, %dma_wait3A_37] : memref<2x10000x128xf32, #tpu.memory_space<hbm>> -> memref<1x520x128xf32, #tpu.memory_space<hbm>>
        %dma_wait3A_39 = tpu.memref_squeeze %dma_wait3A_38 : memref<1x520x128xf32, #tpu.memory_space<hbm>> -> memref<520x128xf32, #tpu.memory_space<hbm>>
        %dma_wait3A_40 = arith.constant 9480 : i32
        %dma_wait3A_41 = arith.constant 0 : i32
        %dma_wait3A_42 = tpu.memref_slice %arg8[%dma_wait3A_40, %dma_wait3A_41] : memref<10000x128xf32, #tpu.memory_space<vmem_shared>> -> memref<520x128xf32, #tpu.memory_space<vmem_shared>>
        tpu.wait_dma2 semaphore(%run_scoped3A : memref<!tpu.dma_semaphore, #tpu.memory_space<semaphore_mem>>) src(%dma_wait3A_42 : memref<520x128xf32, #tpu.memory_space<vmem_shared>>) dst(%dma_wait3A_39 : memref<520x128xf32, #tpu.memory_space<hbm>>)
        tpu.yield
      }) : () -> ()
    } else {
    }
    return
  }
}

module attributes {stable_mosaic.version = 14 : i64} {
  func.func @_score_body(%arg0: memref<10000x128xf32, #tpu.memory_space<vmem>>, %arg1: memref<2x10000x128xf32, #tpu.memory_space<vmem>>, %arg2: memref<2x2x10000x1xf32, #tpu.memory_space<vmem>>, %arg3: memref<10000x1xf32, #tpu.memory_space<vmem>>) attributes {dimension_semantics = [], scalar_prefetch = 0 : i64, scratch_operands = 0 : i64, tpu.core_type = #tpu.core_type<tc>} {
    %get3A = arith.constant 0 : index
    %get3A_0 = arith.constant 1 : index
    %get3A_1 = arith.constant 0 : index
    %get3A_2 = arith.constant 0 : index
    %get3A_3 = vector.load %arg2[%get3A, %get3A_0, %get3A_1, %get3A_2] : memref<2x2x10000x1xf32, #tpu.memory_space<vmem>>, vector<1x1x10000x1xf32>
    %get3A_4 = vector.shape_cast %get3A_3 : vector<1x1x10000x1xf32> to vector<10000x1xf32>
    %get3A_5 = arith.constant 1 : index
    %get3A_6 = arith.constant 1 : index
    %get3A_7 = arith.constant 0 : index
    %get3A_8 = arith.constant 0 : index
    %get3A_9 = vector.load %arg2[%get3A_5, %get3A_6, %get3A_7, %get3A_8] : memref<2x2x10000x1xf32, #tpu.memory_space<vmem>>, vector<1x1x10000x1xf32>
    %get3A_10 = vector.shape_cast %get3A_9 : vector<1x1x10000x1xf32> to vector<10000x1xf32>
    %add3A = arith.addf %get3A_4, %get3A_10 : vector<10000x1xf32>
    %max3A = arith.constant 1.000000e+00 : f32
    %max3A_11 = vector.broadcast %max3A : f32 to vector<10000x1xf32>
    %max3A_12 = arith.maximumf %add3A, %max3A_11 : vector<10000x1xf32>
    %rsqrt3A = math.rsqrt %max3A_12 : vector<10000x1xf32>
    %get3A_13 = arith.constant 0 : index
    %get3A_14 = arith.constant 0 : index
    %get3A_15 = arith.constant 0 : index
    %get3A_16 = vector.load %arg1[%get3A_13, %get3A_14, %get3A_15] : memref<2x10000x128xf32, #tpu.memory_space<vmem>>, vector<1x10000x128xf32>
    %get3A_17 = vector.shape_cast %get3A_16 : vector<1x10000x128xf32> to vector<10000x128xf32>
    %get3A_18 = arith.constant 1 : index
    %get3A_19 = arith.constant 0 : index
    %get3A_20 = arith.constant 0 : index
    %get3A_21 = vector.load %arg1[%get3A_18, %get3A_19, %get3A_20] : memref<2x10000x128xf32, #tpu.memory_space<vmem>>, vector<1x10000x128xf32>
    %get3A_22 = vector.shape_cast %get3A_21 : vector<1x10000x128xf32> to vector<10000x128xf32>
    %add3A_23 = arith.addf %get3A_17, %get3A_22 : vector<10000x128xf32>
    %get3A_24 = arith.constant 0 : index
    %get3A_25 = arith.constant 0 : index
    %get3A_26 = vector.load %arg0[%get3A_24, %get3A_25] : memref<10000x128xf32, #tpu.memory_space<vmem>>, vector<10000x128xf32>
    %mul3A = vector.broadcast %rsqrt3A : vector<10000x1xf32> to vector<10000x128xf32>
    %mul3A_27 = arith.mulf %add3A_23, %mul3A : vector<10000x128xf32>
    %sub3A = arith.subf %get3A_26, %mul3A_27 : vector<10000x128xf32>
    %abs3A = math.absf %sub3A : vector<10000x128xf32>
    %reduce_sum3A = arith.constant dense<0.000000e+00> : vector<10000xf32>
    %reduce_sum3A_28 = vector.multi_reduction <add>, %abs3A, %reduce_sum3A [1] : vector<10000x128xf32> to vector<10000xf32>
    %broadcast_in_dim3A = vector.shape_cast %reduce_sum3A_28 : vector<10000xf32> to vector<10000x1xf32>
    %swap3A = arith.constant 0 : index
    %swap3A_29 = arith.constant 0 : index
    %swap3A_30 = vector.load %arg3[%swap3A, %swap3A_29] : memref<10000x1xf32, #tpu.memory_space<vmem>>, vector<10000x1xf32>
    tpu.vector_store %arg3[%swap3A, %swap3A_29], %broadcast_in_dim3A {strides = array<i32>} : memref<10000x1xf32, #tpu.memory_space<vmem>>, vector<10000x1xf32>,
    return
  }
}

module attributes {stable_mosaic.version = 14 : i64} {
  func.func @_scale_body(%arg0: memref<10000x128xf32, #tpu.memory_space<vmem>>, %arg1: memref<2x2x10000x1xf32, #tpu.memory_space<vmem>>, %arg2: memref<10000x128xf32, #tpu.memory_space<vmem>>) attributes {dimension_semantics = [], scalar_prefetch = 0 : i64, scratch_operands = 0 : i64, tpu.core_type = #tpu.core_type<tc>} {
    %get3A = arith.constant 0 : index
    %get3A_0 = arith.constant 0 : index
    %get3A_1 = arith.constant 0 : index
    %get3A_2 = arith.constant 0 : index
    %get3A_3 = vector.load %arg1[%get3A, %get3A_0, %get3A_1, %get3A_2] : memref<2x2x10000x1xf32, #tpu.memory_space<vmem>>, vector<1x1x10000x1xf32>
    %get3A_4 = vector.shape_cast %get3A_3 : vector<1x1x10000x1xf32> to vector<10000x1xf32>
    %get3A_5 = arith.constant 1 : index
    %get3A_6 = arith.constant 0 : index
    %get3A_7 = arith.constant 0 : index
    %get3A_8 = arith.constant 0 : index
    %get3A_9 = vector.load %arg1[%get3A_5, %get3A_6, %get3A_7, %get3A_8] : memref<2x2x10000x1xf32, #tpu.memory_space<vmem>>, vector<1x1x10000x1xf32>
    %get3A_10 = vector.shape_cast %get3A_9 : vector<1x1x10000x1xf32> to vector<10000x1xf32>
    %add3A = arith.addf %get3A_4, %get3A_10 : vector<10000x1xf32>
    %max3A = arith.constant 1.000000e+00 : f32
    %max3A_11 = vector.broadcast %max3A : f32 to vector<10000x1xf32>
    %max3A_12 = arith.maximumf %add3A, %max3A_11 : vector<10000x1xf32>
    %rsqrt3A = math.rsqrt %max3A_12 : vector<10000x1xf32>
    %get3A_13 = arith.constant 0 : index
    %get3A_14 = arith.constant 0 : index
    %get3A_15 = vector.load %arg0[%get3A_13, %get3A_14] : memref<10000x128xf32, #tpu.memory_space<vmem>>, vector<10000x128xf32>
    %mul3A = vector.broadcast %rsqrt3A : vector<10000x1xf32> to vector<10000x128xf32>
    %mul3A_16 = arith.mulf %get3A_15, %mul3A : vector<10000x128xf32>
    %swap3A = arith.constant 0 : index
    %swap3A_17 = arith.constant 0 : index
    %swap3A_18 = vector.load %arg2[%swap3A, %swap3A_17] : memref<10000x128xf32, #tpu.memory_space<vmem>>, vector<10000x128xf32>
    tpu.vector_store %arg2[%swap3A, %swap3A_17], %mul3A_16 {strides = array<i32>} : memref<10000x128xf32, #tpu.memory_space<vmem>>, vector<10000x128xf32>,
    return
  }
}

</mosaic_0001>

<sc_bundles>
// kernel: kernel.6.cloned.1.call-start
scs
__scs_entry_jumppad:
0x0: {  	(pc) =	sbr.rel $0x88, $3  }
0x1: {  	(tag) =	ssettag $0x0;
	lr =	simm.s32 $0x1  }
0x2: {  	[smem:$0x3F9F] =	sst lr;
	_ =	strace $0xD0000000  }
0x3: {  	_ = 	snop  }
0x4: {  	_ = 	snop  }
0x5: {  	_ = 	snop  }
0x6: {  	_ = 	snop  }
0x7: {  	_ = 	snop  }
__scs_overlays_trampoline_lowered:
0x8: {  	[smem:$0x3FAE] =	sst s0  }
0x9: {  	[smem:$0x3FAF] =	sst s1  }
0xa: {  	[smem:$0x3FB0] =	sst s2  }
0xb: {  	[smem:$0x3FB1] =	sst s3  }
0xc: {  	[smem:$0x3FB2] =	sst s4  }
0xd: {  	[smem:$0x3FB3] =	sst s5  }
0xe: {  	[smem:$0x3FB4] =	sst s6  }
0xf: {  	[smem:$0x3FB5] =	sst s7  }
0x10: {  	[smem:$0x3FB6] =	sst s8  }
0x11: {  	[smem:$0x3FB7] =	sst s9;
	s0 =	simm.s32 @!p0 $0x0  }
0x12: {  	s1 =	sld [smem:$0x3F9D];
	s0 =	simm.s32 @p0 $0x1  }
0x13: {  	[smem:$0x3FB8] =	sst s0;
	s0 =	simm.s32 @!p1 $0x0  }
0x14: {  	s2 =	sld [smem:$0x3F9C];
	s0 =	simm.s32 @p1 $0x1  }
0x15: {  	[smem:$0x3FB9] =	sst s0;
	s0 =	simm.s32 @!p2 $0x0  }
0x16: {  	s3 =	sld [smem:$0x3FDB];
	s0 =	simm.s32 @p2 $0x1  }
0x17: {  	s4 =	simm.s32 $0x1BF5;
	[smem:$0x3FBB] =	sst s0  }
0x18: {  	s0 =	sld [smem:$0x3F9E];
	_ =	swait.ge [sflag:s4], $0x0  }
0x19: {  	s7 =	sld [smem:$0x3F9F]  }
0x1a: {  	s8 =	sadd.s32 $0xFFFFE003, lr  }
0x1b: {  	s9 =	sadd.s32 $0xFFFFFEF7, lr;
	s5 =	simm.s32 $0xFFFFFFFF;
	p2 =	slt.u32 s8, $0xFFFFF086  }
0x1c: {  	p1 =	slt.u32 s9, $0xF7A;
	s5 =	simm.s32 @!p2 $0x0  }
0x1d: {  	s5 =	simm.s32 @p1 $0x1;
	p0 =	seq.s32 s7, s2  }
0x1e: {  	s7 =	smul.u32 @!p0 $0xF7A, s2;
	p2 =	seq.s32 @!p0 s5, $0x0  }
0x1f: {  	s9 =	smul.u32 $0xF7A, s1;
	s8 =	simm.s32 @!p0 $0x1BF5;
	p2 =	por !p2, p0  }
0x20: {  	[sflag:s8] =	ssyncset.s32 @!p0 $0xFFFFF086;
	s6 =	sadd.s32 @!p0 s3, s7;
	s7 =	simm.s32 @!p0 $0x108  }
0x21: {  	s3 =	sadd.s32 s3, s9;
	s6 =	sadd.s32 @!p0 $0x88, s6;
	s7 =	simm.s32 @p2 $0x1082  }
0x22: {  	[simem:s7], [sflag:s8] =	dma.local @!p0 [hbm:s6], $0xF7A  }
0x23: {  	s9 =	sor.u32 $0xD0000000, s2;
	s6 =	simm.s32 $0x108;
	_ =	swait.ge @!p0 [sflag:s8], $0x0  }
0x24: {  	s3 =	sadd.s32 $0x88, s3;
	s6 =	simm.s32 @!p1 $0x1082;
	[sflag:s4] =	ssyncset.s32 $0xFFFFF086  }
0x25: {  	[simem:s6], [sflag:s4] =	dma.local [hbm:s3], $0xF7A  }
0x26: {  	[smem:$0x3F9F] =	sst s1;
	(tag) =	ssettag s2;
	_ =	strace s9  }
0x27: {  	s1 =	sld [smem:$0x3FAF]  }
0x28: {  	s2 =	sld [smem:$0x3FB0]  }
0x29: {  	s4 =	sld [smem:$0x3FB2]  }
0x2a: {  	p0 =	seq.s32 s5, $0x0;
	s5 =	sld [smem:$0x3FB3]  }
0x2b: {  	s6 =	sld [smem:$0x3FB4]  }
0x2c: {  	s7 =	sld [smem:$0x3FB5]  }
0x2d: {  	s3 =	simm.s32 $0x108;
	s8 =	sld [smem:$0x3FB6]  }
0x2e: {  	s3 =	simm.s32 @!p0 $0x1082;
	s9 =	sld [smem:$0x3FB7]  }
0x2f: {  	lr =	sadd.s32 s0, s3;
	s0 =	sld [smem:$0x3FAE]  }
0x30: {  	s3 =	sld [smem:$0x3FB1]  }
0x31: {  	[smem:$0x3FBA] =	sst s10  }
0x32: {  	s10 =	sld [smem:$0x3FB8];
	_ =	sdelay $0x3  }
0x33: {  	p0 =	seq.s32 s10, $0x1;
	s10 =	sld [smem:$0x3FBA];
	_ =	sdelay $0x3  }
0x34: {  	[smem:$0x3FBA] =	sst s10  }
0x35: {  	s10 =	sld [smem:$0x3FB9];
	_ =	sdelay $0x3  }
0x36: {  	p1 =	seq.s32 s10, $0x1;
	s10 =	sld [smem:$0x3FBA];
	_ =	sdelay $0x3  }
0x37: {  	[smem:$0x3FBA] =	sst s10  }
0x38: {  	s10 =	sld [smem:$0x3FBB]  }
0x39: {  	_ = 	snop;
	(pc) =	sbr.ind lr, $3  }
0x3a: {  	_ = 	snop  }
0x3b: {  	_ = 	snop  }
0x3c: {  	p2 =	seq.s32 s10, $0x1;
	s10 =	sld [smem:$0x3FBA]  }
0x3d: {  	_ =	shalt  }
0x3e: {  	_ =	shalt  }
0x3f: {  	_ =	shalt  }
0x40: {  	_ =	shalt  }
0x41: {  	_ =	shalt  }
0x42: {  	_ =	shalt  }
0x43: {  	_ =	shalt  }
0x44: {  	_ =	shalt  }
0x45: {  	_ =	shalt  }
0x46: {  	_ =	shalt  }
0x47: {  	_ =	shalt  }
0x48: {  	_ =	shalt  }
0x49: {  	_ =	shalt  }
0x4a: {  	_ =	shalt  }
0x4b: {  	_ =	shalt  }
0x4c: {  	_ =	shalt  }
0x4d: {  	_ =	shalt  }
0x4e: {  	_ =	shalt  }
0x4f: {  	_ =	shalt  }
0x50: {  	_ =	shalt  }
0x51: {  	_ =	shalt  }
0x52: {  	_ =	shalt  }
0x53: {  	_ =	shalt  }
0x54: {  	_ =	shalt  }
0x55: {  	_ =	shalt  }
0x56: {  	_ =	shalt  }
0x57: {  	_ =	shalt  }
0x58: {  	_ =	shalt  }
0x59: {  	_ =	shalt  }
0x5a: {  	_ =	shalt  }
0x5b: {  	_ =	shalt  }
0x5c: {  	_ =	shalt  }
0x5d: {  	_ =	shalt  }
0x5e: {  	_ =	shalt  }
0x5f: {  	_ =	shalt  }
0x60: {  	_ =	shalt  }
0x61: {  	_ =	shalt  }
0x62: {  	_ =	shalt  }
0x63: {  	_ =	shalt  }
0x64: {  	_ =	shalt  }
0x65: {  	_ =	shalt  }
0x66: {  	_ =	shalt  }
0x67: {  	_ =	shalt  }
0x68: {  	_ =	shalt  }
0x69: {  	_ =	shalt  }
0x6a: {  	_ =	shalt  }
0x6b: {  	_ =	shalt  }
0x6c: {  	_ =	shalt  }
0x6d: {  	_ =	shalt  }
0x6e: {  	_ =	shalt  }
0x6f: {  	_ =	shalt  }
0x70: {  	_ =	shalt  }
0x71: {  	_ =	shalt  }
0x72: {  	_ =	shalt  }
0x73: {  	_ =	shalt  }
0x74: {  	_ =	shalt  }
0x75: {  	_ =	shalt  }
0x76: {  	_ =	shalt  }
0x77: {  	_ =	shalt  }
0x78: {  	_ =	shalt  }
0x79: {  	_ =	shalt  }
0x7a: {  	_ =	shalt  }
0x7b: {  	_ =	shalt  }
0x7c: {  	_ =	shalt  }
0x7d: {  	_ =	shalt  }
0x7e: {  	_ =	shalt  }
0x7f: {  	_ =	shalt  }
0x80: {  	_ =	shalt  }
0x81: {  	_ =	shalt  }
0x82: {  	_ =	shalt  }
0x83: {  	_ =	shalt  }
0x84: {  	_ =	shalt  }
0x85: {  	_ =	shalt  }
0x86: {  	_ =	shalt  }
0x87: {  	_ =	shalt  }
.Lfunc_end0:
.L_simem_size_0:
called_computation_lowered:
.L_overlay_start_0:
0x88: {  	s2 =	sld [smem:$0x3FD9]  }
0x89: {  	s3 =	sld [smem:$0x3FFE];
	_ =	sdelay $0x1  }
0x8a: {  	s1 =	srdreg.scid  }
0x8b: {  	s0 =	sand.u32 $0x1, s1  }
0x8c: {  	s16 =	sshll.u32 s0, $0xA;
	s2 =	sadd.s32 s3, s2  }
0x8d: {  	s2 =	sadd.s32 s2, s16  }
0x8e: {  	[smem:$0x3FC6] =	sst s2  }
0x8f: {  	_ = 	snop  }
0x90: {  	(tm) =	ssettm $0x1  }
0x91: {  	s17 =	sld [smem:$0x3FFB];
	_ =	sdelay $0x3  }
0x92: {  	_ =	strace s17  }
0x93: {  	s2 =	sld [smem:$0x3FFC];
	_ =	sdelay $0x3  }
0x94: {  	_ =	strace s2  }
0x95: {  	s2 =	sld [smem:$0x3FFD];
	_ =	sdelay $0x3  }
0x96: {  	_ =	strace s2  }
0x97: {  	_ =	strace $0x8FFFFFFF  }
0x98: {  	s18 =	sld [smem:$0x3FDB];
	_ =	sdelay $0x1  }
0x99: {  	s19 =	simm.s32 $_scs_section_size  }
0x9a: {  	s4 =	simm.s32 $_size__tile_overlayer_lowered;
	s5 =	simm.s32 $_tile_overlayer_lowered  }
0x9b: {  	s22 =	simm.s32 $0x1BFF;
	s21 =	sshll.u32 s5, $0x1;
	s2 =	sadd.s32 s19, s18  }
0x9c: {  	s6 =	simm.s32 $0x0;
	s20 =	sshll.u32 s4, $0x1;
	s4 =	sadd.s32 s21, s2  }
0x9d: {  	[timem:s6], [sflag:s22] =	dma.local [hbm:s4], s20  }
0x9e: {  	_ =	swait.ge [sflag:s22], s20  }
0x9f: {  	s3 =	ssub.s32 $0x0, s20;
	[sflag:s22] =	ssyncset.done $0x0  }
0xa0: {  	[sflag:s22] =	ssyncadd.s32 s3;
	_ =	sdelay $0x1  }
0xa1: {  	s23 =	simm.s32 $0x1B8B  }
0xa2: {  	_ =	swait.ge [sflag:s23], $0x1  }
0xa3: {  	[sflag:s23] =	ssyncset.done $0x0  }
0xa4: {  	s25 =	simm.s32 $0x1B8E;
	s24 =	sld [smem:$0x3FFE];
	[sflag:s23] =	ssyncadd.s32 $0xFFFFFFFF  }
0xa5: {  	s26 =	simm.s32 $execute0_lowered;
	[smem:$0x3FD2] =	sst s25  }
0xa6: {  	s4 =	sshll.u32 s26, $0x1;
	_ =	strace $0x80000046;
	[dreg:$0x1] =	wrdreg $0xFFFFFFFF  }
0xa7: {  	s28 =	simm.s32 $_size_execute0_lowered;
	s2 =	sadd.s32 s2, s4;
	[dreg:$0x0] =	wrdreg $0x0  }
0xa8: {  	s4 =	sshll.u32 s28, $0x1;
	[dreg:$0x2] =	wrdreg s2  }
0xa9: {  	[dreg:$0x3] =	wrdreg s4  }
0xaa: {  	[dreg:$0x4] =	wrdreg $0xC0  }
0xab: {  	_ =	task [dreg:s6], $0x5FFFF  }
0xac: {  	[dreg:$0x1] =	wrdreg $0xFFFFFFFF  }
0xad: {  	[dreg:$0x0] =	wrdreg $0x60  }
0xae: {  	[dreg:$0x2] =	wrdreg s24  }
0xaf: {  	[dreg:$0x3] =	wrdreg $0x4000  }
0xb0: {  	[dreg:$0x4] =	wrdreg $0x6780  }
0xb1: {  	[dreg:$0x5] =	wrdreg $0x9  }
0xb2: {  	_ =	task.clear_ibuf [dreg:s6], $0x6FFFF;
	_ =	strace $0x90000046  }
0xb3: {  	s29 =	simm.s32 $0x9;
	_ =	strace $0x80000048  }
0xb4: {  	_ =	swait.ge [sflag:s29], $0x1  }
0xb5: {  	[sflag:s29] =	ssyncadd.s32 $0xFFFFFFFF  }
0xb6: {  	_ =	strace $0x90000048  }
0xb7: {  	_ =	sfence  }
0xb8: {  	s30 =	sld [smem:$0x0];
	_ =	sdelay $0x2  }
0xb9: {  	s31 =	sshll.u32 s1, $0xD;
	s1 =	sshrl.u32 s1, $0x2  }
0xba: {  	s3 =	sand.u32 $0x4000, s31;
	s1 =	sadd.s32 s1, s30  }
0xbb: {  	s0 =	sor.u32 s3, s0;
	s1 =	sshll.u32 s1, $0x11  }
0xbc: {  	s0 =	sor.u32 s1, s0  }
0xbd: {  	s0 =	sadd.s32 $0x8F2B, s0  }
0xbe: {  	[sflag:s0] =	ssyncadd.remote.s32 $0x1  }
0xbf: {  	_ =	sfence.sel $0xFFFF  }
0xc0: {  	[dreg:$0x0] =	wrdreg $0xFFFFFFFF;
	(pc) =	sbr.abs _section_cstart, $3  }
0xc1: {  	[dreg:$0x1] =	wrdreg $0xFFFFFFFF  }
0xc2: {  	_ =	task.clear_ibuf [dreg:s6], $0x2FFFF;
	_ =	strace $0x9FFFFFFF  }
0xc3: {  	(tm) =	ssettm $0x7FFFFFFF  }
tec
execute0_lowered:
.L_overlay_start_1:
0x0: {  	(tag) =	ssettag $0x1  }
0x1: {  	s4 =	rddreg [dreg:$0x0]  }
0x2: {  	s1 =	rddreg [dreg:$0x1]  }
0x3: {  	s2 =	rddreg [dreg:$0x2]  }
0x4: {  	s0 =	rddreg [dreg:$0x3]  }
0x5: {  	s5 =	srdreg.scid;
	s17 =	stileid.u32  }
0x6: {  	s3 =	simm.s32 $0x0;
	s13 =	simm.s32 $0x1;
	s14 =	simm.s32 $0x80  }
0x7: {  	s15 =	simm.s32 $0x50;
	s16 =	simm.s32 $0x100;
	s6 =	smul.u32 $0x4E20, s17  }
0x8: {  	s19 =	simm.s32 $0x0;
	s5 =	sand.u32 $0x1, s5;
	s9 =	smul.u32 $0x280, s17  }
0x9: {  	[smem:$0x7FF] =	sst s3;
	p1 =	seq.s32 s17, $0xF;
	s7 =	smul.u32 $0x2710, s5  }
0xa: {  	p0 =	sne.s32 s17, $0x0;
	_ =	strace $0x80000047;
	s31 =	smul.u32 $0x9E0, s5  }
0xb: {  	s5 =	ssub.s32 $0x2, s5;
	s17 =	sshrl.u32 @!p0 s1, $0x3;
	s18 =	sshrl.u32 @!p0 s2, $0x3  }
0xc: {  	s8 =	sshrl.u32 s5, $0x1;
	s6 =	sadd.s32 s7, s6;
	s10 =	sadd.s32 s31, s4  }
0xd: {  	s11 =	ssub.s32 s5, s8;
	s5 =	sadd.s32 s9, s2;
	s6 =	sshrl.u32 s6, $0x3  }
0xe: {  	s7 =	sadd.s32 $0x2580, s2;
	s8 =	sadd.s32 $0x14200, s10;
	s12 =	sadd.s32 s6, s4  }
0xf: {  	s4 =	sadd.s32 s9, s1;
	s6 =	sadd.s32 $0x2580, s1;
	s9 =	sadd.s32 $0x14210, s10  }
0x10: {  	v0 =	vimm.f32 $0.0e+00;
	v1 =	vimm.f32 $1.000000000e+00;
	s10 =	smax.u32 s11, $0x1;
	s11 =	sadd.s32 $0x600, s12;
	s12 =	sadd.s32 $0xA400, s12  }
.LBB2_1:
0x11: {  	[tilespmem:$0x180] =	vst v0  }
0x12: {  	[tilespmem:$0x190] =	vst v0  }
0x13: {  	[tilespmem:$0x1A0] =	vst v0  }
0x14: {  	[tilespmem:$0x1B0] =	vst v0  }
0x15: {  	[tilespmem:$0x1C0] =	vst v0  }
0x16: {  	[tilespmem:$0x1D0] =	vst v0  }
0x17: {  	[tilespmem:$0x1E0] =	vst v0  }
0x18: {  	[tilespmem:$0x1F0] =	vst v0  }
0x19: {  	[tilespmem:$0x200] =	vst v0  }
0x1a: {  	[tilespmem:$0x210] =	vst v0  }
0x1b: {  	[tilespmem:$0x220] =	vst v0  }
0x1c: {  	[tilespmem:$0x230] =	vst v0  }
0x1d: {  	[tilespmem:$0x240] =	vst v0  }
0x1e: {  	[tilespmem:$0x250] =	vst v0  }
0x1f: {  	[tilespmem:$0x260] =	vst v0  }
0x20: {  	[tilespmem:$0x270] =	vst v0  }
0x21: {  	[tilespmem:$0x280] =	vst v0  }
0x22: {  	[tilespmem:$0x290] =	vst v0  }
0x23: {  	[tilespmem:$0x2A0] =	vst v0  }
0x24: {  	[tilespmem:$0x2B0] =	vst v0  }
0x25: {  	[tilespmem:$0x2C0] =	vst v0  }
0x26: {  	[tilespmem:$0x2D0] =	vst v0  }
0x27: {  	[tilespmem:$0x2E0] =	vst v0  }
0x28: {  	[tilespmem:$0x2F0] =	vst v0  }
0x29: {  	[tilespmem:$0x300] =	vst v0  }
0x2a: {  	[tilespmem:$0x310] =	vst v0  }
0x2b: {  	[tilespmem:$0x320] =	vst v0  }
0x2c: {  	[tilespmem:$0x330] =	vst v0  }
0x2d: {  	[tilespmem:$0x340] =	vst v0  }
0x2e: {  	[tilespmem:$0x350] =	vst v0  }
0x2f: {  	[tilespmem:$0x360] =	vst v0  }
0x30: {  	[tilespmem:$0x370] =	vst v0  }
0x31: {  	[tilespmem:$0x380] =	vst v0  }
0x32: {  	[tilespmem:$0x390] =	vst v0  }
0x33: {  	[tilespmem:$0x3A0] =	vst v0  }
0x34: {  	[tilespmem:$0x3B0] =	vst v0  }
0x35: {  	[tilespmem:$0x3C0] =	vst v0  }
0x36: {  	[tilespmem:$0x3D0] =	vst v0  }
0x37: {  	[tilespmem:$0x3E0] =	vst v0  }
0x38: {  	[tilespmem:$0x3F0] =	vst v0  }
0x39: {  	[tilespmem:$0x100] =	vst v1  }
0x3a: {  	[tilespmem:$0x110] =	vst v1  }
0x3b: {  	[tilespmem:$0x120] =	vst v1  }
0x3c: {  	[tilespmem:$0x130] =	vst v1  }
0x3d: {  	[tilespmem:$0x140] =	vst v1;
	s20 =	simm.s32 @p1 $0x180;
	s21 =	simm.s32 @p1 $0x1  }
0x3e: {  	[spmem:s6] =	stream.linear.scatter @p1 [tilespmem:s20], [sflag:$0x1], $0x190, $0x38;
	[tilespmem:$0x8F0] =	vst v63  }
0x3f: {  	_ =	swait.ge @p1 [sflag:s21], $0x190  }
0x40: {  	[sflag:s21] =	ssyncset.done @p1 $0x0  }
0x41: {  	[sflag:s21] =	ssyncadd.s32 @p1 $0xFFFFFE70  }
0x42: {  	[spmem:s7] =	stream.linear.scatter @p1 [tilespmem:s20], [sflag:$0x1], $0x190, $0x38;
	[tilespmem:$0x8F0] =	vst v63  }
0x43: {  	_ =	swait.ge @p1 [sflag:s21], $0x190  }
0x44: {  	[sflag:s21] =	ssyncset.done @p1 $0x0  }
0x45: {  	s20 =	simm.s32 @!p1 $0x180;
	[sflag:s21] =	ssyncadd.s32 @p1 $0xFFFFFE70;
	s21 =	simm.s32 @!p1 $0x1  }
0x46: {  	[spmem:s4] =	stream.linear.scatter @!p1 [tilespmem:s20], [sflag:$0x1], $0x280, $0x38;
	[tilespmem:$0x8F0] =	vst v63  }
0x47: {  	_ =	swait.ge @!p1 [sflag:s21], $0x280  }
0x48: {  	[sflag:s21] =	ssyncset.done @!p1 $0x0  }
0x49: {  	[sflag:s21] =	ssyncadd.s32 @!p1 $0xFFFFFD80  }
0x4a: {  	[spmem:s5] =	stream.linear.scatter @!p1 [tilespmem:s20], [sflag:$0x1], $0x280, $0x38;
	[tilespmem:$0x8F0] =	vst v63  }
0x4b: {  	_ =	swait.ge @!p1 [sflag:s21], $0x280  }
0x4c: {  	[sflag:s21] =	ssyncset.done @!p1 $0x0  }
0x4d: {  	[sflag:s21] =	ssyncadd.s32 @!p1 $0xFFFFFD80  }
0x4e: {  	s30 =	sadd.s32 $0x0, s12;
	[bflag:$0x0] =	sbarrier.arrive $0xFFFF  }
0x4f: {  	[tilespmem:s3], [sflag:$0x1] =	stream.linear.gather [hbm4b:s30+s3], $0x50, $0x38;
	[tilespmem:$0x8F0] =	vst v63  }
0x50: {  	_ =	swait.ge [sflag:s13], $0x50  }
0x51: {  	[sflag:s13] =	ssyncset.done $0x0  }
0x52: {  	s31 =	sadd.s32 $0x0, s11;
	[sflag:s13] =	ssyncadd.s32 $0xFFFFFFB0  }
0x53: {  	[tilespmem:s14], [sflag:$0x1] =	stream.linear.gather [hbm4b:s31+s3], $0x50, $0x38;
	[tilespmem:$0x8F0] =	vst v63  }
0x54: {  	_ =	swait.ge [sflag:s13], $0x50  }
0x55: {  	[sflag:s13] =	ssyncset.done $0x0  }
0x56: {  	[sflag:s13] =	ssyncadd.s32 $0xFFFFFFB0  }
0x57: {  	[spmem:s1] =	stream.indirect.scatter.add.f32 [tilespmem:s16], [sflag:$0x1], $0x1, s3, s15, $0xb8;
	[tilespmem:$0x8F0] =	vst v63  }
0x58: {  	_ =	swait.ge [sflag:s13], $0x50  }
0x59: {  	[sflag:s13] =	ssyncset.done $0x0  }
0x5a: {  	[sflag:s13] =	ssyncadd.s32 $0xFFFFFFB0  }
0x5b: {  	[spmem:s2] =	stream.indirect.scatter.add.f32 [tilespmem:s16], [sflag:$0x1], $0x1, s14, s15, $0xb8;
	[tilespmem:$0x8F0] =	vst v63  }
0x5c: {  	_ =	swait.ge [sflag:s13], $0x50  }
0x5d: {  	s20 =	simm.s32 $0xA;
	s21 =	simm.s32 $0x14;
	[sflag:s13] =	ssyncset.done $0x0  }
.LBB2_2:
0x5e: {  	s22 =	sadd.s32 s20, s12  }
0x5f: {  	[sflag:s13] =	ssyncadd.s32 $0xFFFFFFB0;
	s23 =	smov.u32 s21;
	s24 =	sadd.s32 $0xA, s21  }
0x60: {  	[tilespmem:s3], [sflag:$0x1] =	stream.linear.gather [hbm4b:s22+s3], $0x50, $0x38;
	[tilespmem:$0x8F0] =	vst v63  }
0x61: {  	p2 =	sne.s32 s21, $0x4D8;
	_ =	swait.ge [sflag:s13], $0x50  }
0x62: {  	[sflag:s13] =	ssyncset.done $0x0  }
0x63: {  	s21 =	sadd.s32 s20, s11;
	s20 =	smov.u32 s23;
	[sflag:s13] =	ssyncadd.s32 $0xFFFFFFB0  }
0x64: {  	[tilespmem:s14], [sflag:$0x1] =	stream.linear.gather [hbm4b:s21+s3], $0x50, $0x38;
	[tilespmem:$0x8F0] =	vst v63  }
0x65: {  	_ =	swait.ge [sflag:s13], $0x50  }
0x66: {  	[sflag:s13] =	ssyncset.done $0x0  }
0x67: {  	[sflag:s13] =	ssyncadd.s32 $0xFFFFFFB0  }
0x68: {  	[spmem:s1] =	stream.indirect.scatter.add.f32 [tilespmem:s16], [sflag:$0x1], $0x1, s3, s15, $0xb8;
	[tilespmem:$0x8F0] =	vst v63  }
0x69: {  	_ =	swait.ge [sflag:s13], $0x50  }
.Ltmp0:
0x6a: {  	[sflag:s13] =	ssyncset.done $0x0;
	(pc) =	sbr.rel @p2 .LBB2_2-.Ltmp0, $4  }
0x6b: {  	[sflag:s13] =	ssyncadd.s32 $0xFFFFFFB0  }
0x6c: {  	[spmem:s2] =	stream.indirect.scatter.add.f32 [tilespmem:s16], [sflag:$0x1], $0x1, s14, s15, $0xb8;
	[tilespmem:$0x8F0] =	vst v63  }
0x6d: {  	_ =	swait.ge [sflag:s13], $0x50  }
0x6e: {  	s21 =	smov.u32 s24;
	[sflag:s13] =	ssyncset.done $0x0  }
0x6f: {  	s21 =	sadd.s32 s20, s12;
	[sflag:s13] =	ssyncadd.s32 $0xFFFFFFB0  }
0x70: {  	[tilespmem:s3], [sflag:$0x1] =	stream.linear.gather [hbm4b:s21+s3], $0x50, $0x38;
	[tilespmem:$0x8F0] =	vst v63  }
0x71: {  	_ =	swait.ge [sflag:s13], $0x50  }
0x72: {  	[sflag:s13] =	ssyncset.done $0x0  }
0x73: {  	s31 =	sadd.s32 s20, s11;
	[sflag:s13] =	ssyncadd.s32 $0xFFFFFFB0  }
0x74: {  	[tilespmem:s14], [sflag:$0x1] =	stream.linear.gather [hbm4b:s31+s3], $0x50, $0x38;
	[tilespmem:$0x8F0] =	vst v63  }
0x75: {  	_ =	swait.ge [sflag:s13], $0x50  }
0x76: {  	[sflag:s13] =	ssyncset.done $0x0  }
0x77: {  	[sflag:s13] =	ssyncadd.s32 $0xFFFFFFB0  }
0x78: {  	[spmem:s1] =	stream.indirect.scatter.add.f32 [tilespmem:s16], [sflag:$0x1], $0x1, s3, s15, $0xb8;
	[tilespmem:$0x8F0] =	vst v63  }
0x79: {  	_ =	swait.ge [sflag:s13], $0x50  }
0x7a: {  	[sflag:s13] =	ssyncset.done $0x0  }
0x7b: {  	[sflag:s13] =	ssyncadd.s32 $0xFFFFFFB0  }
0x7c: {  	[spmem:s2] =	stream.indirect.scatter.add.f32 [tilespmem:s16], [sflag:$0x1], $0x1, s14, s15, $0xb8;
	[tilespmem:$0x8F0] =	vst v63  }
0x7d: {  	_ =	swait.ge [sflag:s13], $0x50  }
0x7e: {  	[sflag:s13] =	ssyncset.done $0x0  }
0x7f: {  	s20 =	simm.s32 @!p0 $0x1;
	s22 =	simm.s32 @!p0 $0x10;
	[sflag:s13] =	ssyncadd.s32 $0xFFFFFFB0  }
0x80: {  	s23 =	simm.s32 @!p0 $0x1C01;
	s21 =	simm.s32 @!p0 $0x20;
	[bflag:$0x0] =	sbarrier.arrive $0xFFFF  }
0x81: {  	[hbm:s8@s21], [sflag:s23] =	dma.strided @!p0 [spmem:s17@s22], $0x4F0, s20, $0x10   }
0x82: {  	s19 =	sadd.s32 $0x1, s19;
	_ =	swait.ge @!p0 [sflag:s20], $0x4F0  }
0x83: {  	p2 =	sne.s32 s19, s10;
	[sflag:s20] =	ssyncset.done @!p0 $0x0  }
.Ltmp1:
0x84: {  	[sflag:s20] =	ssyncadd.s32 @!p0 $0xFFFFFB10;
	(pc) =	sbr.rel @p2 .LBB2_1-.Ltmp1, $4  }
0x85: {  	[hbm:s9@s21], [sflag:s23] =	dma.strided @!p0 [spmem:s18@s22], $0x4F0, s20, $0x10   }
0x86: {  	_ =	swait.ge @!p0 [sflag:s20], $0x4F0  }
0x87: {  	[sflag:s20] =	ssyncset.done @!p0 $0x0  }
0x88: {  	[sflag:s20] =	ssyncadd.s32 @!p0 $0xFFFFFB10  }
0x89: {  	_ =	sfence.sel $0x180000  }
0x8a: {  	[bflag:$0x0] =	sbarrier.arrive $0xFFFF  }
0x8b: {  	_ =	strace $0x90000047  }
0x8c: {  	s0 =	sadd.s32 @!p0 $0x100000, s0;
	[bflag:$0x2] =	sbarrier.arrive $0xFFFF  }
0x8d: {  	[sflag:s0] =	ssyncadd.tile.s32 @!p0 $0x1;
	_ =	shalt  }
.Lfunc_end2:
_tile_overlayer_lowered:
.L_overlay_start_2:
0x8e: {  	(tag) =	ssettag $0x2  }
0x8f: {  	s0 =	rddreg [dreg:$0x0];
	s2 =	stileid.u32  }
0x90: {  	s1 =	rddreg [dreg:$0x1];
	p0 =	sne.s32 s2, $0x0  }
0x91: {  	s3 =	rddreg [dreg:$0x2];
	[bflag:$0x3] =	sbarrier.arrive $0xFFFF;
	s2 =	simm.s32 @!p0 $0x1C01  }
0x92: {  	[timem:s3], [sflag:s2] =	dma.local @!p0 [hbm:s0], s1  }
0x93: {  	s0 =	simm.s32 @!p0 $0x1  }
0x94: {  	_ =	swait.ge @!p0 [sflag:s0], s1  }
0x95: {  	s1 =	ssub.s32 @!p0 $0x0, s1;
	[sflag:s0] =	ssyncset.done @!p0 $0x0  }
0x96: {  	[sflag:s0] =	ssyncadd.s32 @!p0 s1  }
0x97: {  	[bflag:$0x3] =	sbarrier.arrive $0xFFFF  }
0x98: {  	_ =	shalt  }

// kernel: kernel.9.cloned.1.call-start
scs
__scs_entry_jumppad:
0x0: {  	(pc) =	sbr.rel $0x88, $3  }
0x1: {  	(tag) =	ssettag $0x0;
	lr =	simm.s32 $0x1  }
0x2: {  	[smem:$0x3F9F] =	sst lr;
	_ =	strace $0xD0000000  }
0x3: {  	_ = 	snop  }
0x4: {  	_ = 	snop  }
0x5: {  	_ = 	snop  }
0x6: {  	_ = 	snop  }
0x7: {  	_ = 	snop  }
__scs_overlays_trampoline_lowered:
0x8: {  	[smem:$0x3FAE] =	sst s0  }
0x9: {  	[smem:$0x3FAF] =	sst s1  }
0xa: {  	[smem:$0x3FB0] =	sst s2  }
0xb: {  	[smem:$0x3FB1] =	sst s3  }
0xc: {  	[smem:$0x3FB2] =	sst s4  }
0xd: {  	[smem:$0x3FB3] =	sst s5  }
0xe: {  	[smem:$0x3FB4] =	sst s6  }
0xf: {  	[smem:$0x3FB5] =	sst s7  }
0x10: {  	[smem:$0x3FB6] =	sst s8  }
0x11: {  	[smem:$0x3FB7] =	sst s9;
	s0 =	simm.s32 @!p0 $0x0  }
0x12: {  	s1 =	sld [smem:$0x3F9D];
	s0 =	simm.s32 @p0 $0x1  }
0x13: {  	[smem:$0x3FB8] =	sst s0;
	s0 =	simm.s32 @!p1 $0x0  }
0x14: {  	s2 =	sld [smem:$0x3F9C];
	s0 =	simm.s32 @p1 $0x1  }
0x15: {  	[smem:$0x3FB9] =	sst s0;
	s0 =	simm.s32 @!p2 $0x0  }
0x16: {  	s3 =	sld [smem:$0x3FDB];
	s0 =	simm.s32 @p2 $0x1  }
0x17: {  	s4 =	simm.s32 $0x1BF5;
	[smem:$0x3FBB] =	sst s0  }
0x18: {  	s0 =	sld [smem:$0x3F9E];
	_ =	swait.ge [sflag:s4], $0x0  }
0x19: {  	s7 =	sld [smem:$0x3F9F]  }
0x1a: {  	s8 =	sadd.s32 $0xFFFFE003, lr  }
0x1b: {  	s9 =	sadd.s32 $0xFFFFFEF7, lr;
	s5 =	simm.s32 $0xFFFFFFFF;
	p2 =	slt.u32 s8, $0xFFFFF086  }
0x1c: {  	p1 =	slt.u32 s9, $0xF7A;
	s5 =	simm.s32 @!p2 $0x0  }
0x1d: {  	s5 =	simm.s32 @p1 $0x1;
	p0 =	seq.s32 s7, s2  }
0x1e: {  	s7 =	smul.u32 @!p0 $0xF7A, s2;
	p2 =	seq.s32 @!p0 s5, $0x0  }
0x1f: {  	s9 =	smul.u32 $0xF7A, s1;
	s8 =	simm.s32 @!p0 $0x1BF5;
	p2 =	por !p2, p0  }
0x20: {  	[sflag:s8] =	ssyncset.s32 @!p0 $0xFFFFF086;
	s6 =	sadd.s32 @!p0 s3, s7;
	s7 =	simm.s32 @!p0 $0x108  }
0x21: {  	s3 =	sadd.s32 s3, s9;
	s6 =	sadd.s32 @!p0 $0x88, s6;
	s7 =	simm.s32 @p2 $0x1082  }
0x22: {  	[simem:s7], [sflag:s8] =	dma.local @!p0 [hbm:s6], $0xF7A  }
0x23: {  	s9 =	sor.u32 $0xD0000000, s2;
	s6 =	simm.s32 $0x108;
	_ =	swait.ge @!p0 [sflag:s8], $0x0  }
0x24: {  	s3 =	sadd.s32 $0x88, s3;
	s6 =	simm.s32 @!p1 $0x1082;
	[sflag:s4] =	ssyncset.s32 $0xFFFFF086  }
0x25: {  	[simem:s6], [sflag:s4] =	dma.local [hbm:s3], $0xF7A  }
0x26: {  	[smem:$0x3F9F] =	sst s1;
	(tag) =	ssettag s2;
	_ =	strace s9  }
0x27: {  	s1 =	sld [smem:$0x3FAF]  }
0x28: {  	s2 =	sld [smem:$0x3FB0]  }
0x29: {  	s4 =	sld [smem:$0x3FB2]  }
0x2a: {  	p0 =	seq.s32 s5, $0x0;
	s5 =	sld [smem:$0x3FB3]  }
0x2b: {  	s6 =	sld [smem:$0x3FB4]  }
0x2c: {  	s7 =	sld [smem:$0x3FB5]  }
0x2d: {  	s3 =	simm.s32 $0x108;
	s8 =	sld [smem:$0x3FB6]  }
0x2e: {  	s3 =	simm.s32 @!p0 $0x1082;
	s9 =	sld [smem:$0x3FB7]  }
0x2f: {  	lr =	sadd.s32 s0, s3;
	s0 =	sld [smem:$0x3FAE]  }
0x30: {  	s3 =	sld [smem:$0x3FB1]  }
0x31: {  	[smem:$0x3FBA] =	sst s10  }
0x32: {  	s10 =	sld [smem:$0x3FB8];
	_ =	sdelay $0x3  }
0x33: {  	p0 =	seq.s32 s10, $0x1;
	s10 =	sld [smem:$0x3FBA];
	_ =	sdelay $0x3  }
0x34: {  	[smem:$0x3FBA] =	sst s10  }
0x35: {  	s10 =	sld [smem:$0x3FB9];
	_ =	sdelay $0x3  }
0x36: {  	p1 =	seq.s32 s10, $0x1;
	s10 =	sld [smem:$0x3FBA];
	_ =	sdelay $0x3  }
0x37: {  	[smem:$0x3FBA] =	sst s10  }
0x38: {  	s10 =	sld [smem:$0x3FBB]  }
0x39: {  	_ = 	snop;
	(pc) =	sbr.ind lr, $3  }
0x3a: {  	_ = 	snop  }
0x3b: {  	_ = 	snop  }
0x3c: {  	p2 =	seq.s32 s10, $0x1;
	s10 =	sld [smem:$0x3FBA]  }
0x3d: {  	_ =	shalt  }
0x3e: {  	_ =	shalt  }
0x3f: {  	_ =	shalt  }
0x40: {  	_ =	shalt  }
0x41: {  	_ =	shalt  }
0x42: {  	_ =	shalt  }
0x43: {  	_ =	shalt  }
0x44: {  	_ =	shalt  }
0x45: {  	_ =	shalt  }
0x46: {  	_ =	shalt  }
0x47: {  	_ =	shalt  }
0x48: {  	_ =	shalt  }
0x49: {  	_ =	shalt  }
0x4a: {  	_ =	shalt  }
0x4b: {  	_ =	shalt  }
0x4c: {  	_ =	shalt  }
0x4d: {  	_ =	shalt  }
0x4e: {  	_ =	shalt  }
0x4f: {  	_ =	shalt  }
0x50: {  	_ =	shalt  }
0x51: {  	_ =	shalt  }
0x52: {  	_ =	shalt  }
0x53: {  	_ =	shalt  }
0x54: {  	_ =	shalt  }
0x55: {  	_ =	shalt  }
0x56: {  	_ =	shalt  }
0x57: {  	_ =	shalt  }
0x58: {  	_ =	shalt  }
0x59: {  	_ =	shalt  }
0x5a: {  	_ =	shalt  }
0x5b: {  	_ =	shalt  }
0x5c: {  	_ =	shalt  }
0x5d: {  	_ =	shalt  }
0x5e: {  	_ =	shalt  }
0x5f: {  	_ =	shalt  }
0x60: {  	_ =	shalt  }
0x61: {  	_ =	shalt  }
0x62: {  	_ =	shalt  }
0x63: {  	_ =	shalt  }
0x64: {  	_ =	shalt  }
0x65: {  	_ =	shalt  }
0x66: {  	_ =	shalt  }
0x67: {  	_ =	shalt  }
0x68: {  	_ =	shalt  }
0x69: {  	_ =	shalt  }
0x6a: {  	_ =	shalt  }
0x6b: {  	_ =	shalt  }
0x6c: {  	_ =	shalt  }
0x6d: {  	_ =	shalt  }
0x6e: {  	_ =	shalt  }
0x6f: {  	_ =	shalt  }
0x70: {  	_ =	shalt  }
0x71: {  	_ =	shalt  }
0x72: {  	_ =	shalt  }
0x73: {  	_ =	shalt  }
0x74: {  	_ =	shalt  }
0x75: {  	_ =	shalt  }
0x76: {  	_ =	shalt  }
0x77: {  	_ =	shalt  }
0x78: {  	_ =	shalt  }
0x79: {  	_ =	shalt  }
0x7a: {  	_ =	shalt  }
0x7b: {  	_ =	shalt  }
0x7c: {  	_ =	shalt  }
0x7d: {  	_ =	shalt  }
0x7e: {  	_ =	shalt  }
0x7f: {  	_ =	shalt  }
0x80: {  	_ =	shalt  }
0x81: {  	_ =	shalt  }
0x82: {  	_ =	shalt  }
0x83: {  	_ =	shalt  }
0x84: {  	_ =	shalt  }
0x85: {  	_ =	shalt  }
0x86: {  	_ =	shalt  }
0x87: {  	_ =	shalt  }
.Lfunc_end0:
.L_simem_size_0:
called_computation.1_lowered:
.L_overlay_start_0:
0x88: {  	s2 =	sld [smem:$0x3FD9]  }
0x89: {  	s3 =	sld [smem:$0x3FFE];
	_ =	sdelay $0x1  }
0x8a: {  	s1 =	srdreg.scid  }
0x8b: {  	s0 =	sand.u32 $0x1, s1  }
0x8c: {  	s16 =	sshll.u32 s0, $0xA;
	s2 =	sadd.s32 s3, s2  }
0x8d: {  	s2 =	sadd.s32 s2, s16  }
0x8e: {  	[smem:$0x3FC6] =	sst s2  }
0x8f: {  	_ = 	snop  }
0x90: {  	(tm) =	ssettm $0x1  }
0x91: {  	s17 =	sld [smem:$0x3FFB];
	_ =	sdelay $0x3  }
0x92: {  	_ =	strace s17  }
0x93: {  	s2 =	sld [smem:$0x3FFC];
	_ =	sdelay $0x3  }
0x94: {  	_ =	strace s2  }
0x95: {  	s2 =	sld [smem:$0x3FFD];
	_ =	sdelay $0x3  }
0x96: {  	_ =	strace s2  }
0x97: {  	_ =	strace $0x8FFFFFFF  }
0x98: {  	s18 =	sld [smem:$0x3FDB];
	_ =	sdelay $0x1  }
0x99: {  	s19 =	simm.s32 $_scs_section_size  }
0x9a: {  	s4 =	simm.s32 $_size__tile_overlayer_lowered;
	s5 =	simm.s32 $_tile_overlayer_lowered  }
0x9b: {  	s22 =	simm.s32 $0x1BFF;
	s21 =	sshll.u32 s5, $0x1;
	s2 =	sadd.s32 s19, s18  }
0x9c: {  	s6 =	simm.s32 $0x0;
	s20 =	sshll.u32 s4, $0x1;
	s4 =	sadd.s32 s21, s2  }
0x9d: {  	[timem:s6], [sflag:s22] =	dma.local [hbm:s4], s20  }
0x9e: {  	_ =	swait.ge [sflag:s22], s20  }
0x9f: {  	s3 =	ssub.s32 $0x0, s20;
	[sflag:s22] =	ssyncset.done $0x0  }
0xa0: {  	[sflag:s22] =	ssyncadd.s32 s3;
	_ =	sdelay $0x1  }
0xa1: {  	s23 =	simm.s32 $0x1B8B  }
0xa2: {  	_ =	swait.ge [sflag:s23], $0x1  }
0xa3: {  	[sflag:s23] =	ssyncset.done $0x0  }
0xa4: {  	s25 =	simm.s32 $0x1B8E;
	s24 =	sld [smem:$0x3FFE];
	[sflag:s23] =	ssyncadd.s32 $0xFFFFFFFF  }
0xa5: {  	s26 =	simm.s32 $execute0_lowered;
	[smem:$0x3FD2] =	sst s25  }
0xa6: {  	s4 =	sshll.u32 s26, $0x1;
	_ =	strace $0x80000049;
	[dreg:$0x1] =	wrdreg $0xFFFFFFFF  }
0xa7: {  	s28 =	simm.s32 $_size_execute0_lowered;
	s2 =	sadd.s32 s2, s4;
	[dreg:$0x0] =	wrdreg $0x0  }
0xa8: {  	s4 =	sshll.u32 s28, $0x1;
	[dreg:$0x2] =	wrdreg s2  }
0xa9: {  	[dreg:$0x3] =	wrdreg s4  }
0xaa: {  	[dreg:$0x4] =	wrdreg $0xC0  }
0xab: {  	_ =	task [dreg:s6], $0x5FFFF  }
0xac: {  	[dreg:$0x1] =	wrdreg $0xFFFFFFFF  }
0xad: {  	[dreg:$0x0] =	wrdreg $0x60  }
0xae: {  	[dreg:$0x2] =	wrdreg s24  }
0xaf: {  	[dreg:$0x3] =	wrdreg $0x29000  }
0xb0: {  	[dreg:$0x4] =	wrdreg $0x9  }
0xb1: {  	_ =	task.clear_ibuf [dreg:s6], $0x5FFFF;
	_ =	strace $0x90000049  }
0xb2: {  	s29 =	simm.s32 $0x9;
	_ =	strace $0x8000004B  }
0xb3: {  	_ =	swait.ge [sflag:s29], $0x1  }
0xb4: {  	[sflag:s29] =	ssyncadd.s32 $0xFFFFFFFF  }
0xb5: {  	_ =	strace $0x9000004B  }
0xb6: {  	_ =	sfence  }
0xb7: {  	s30 =	sld [smem:$0x0];
	_ =	sdelay $0x2  }
0xb8: {  	s31 =	sshll.u32 s1, $0xD;
	s1 =	sshrl.u32 s1, $0x2  }
0xb9: {  	s3 =	sand.u32 $0x4000, s31;
	s1 =	sadd.s32 s1, s30  }
0xba: {  	s0 =	sor.u32 s3, s0;
	s1 =	sshll.u32 s1, $0x11  }
0xbb: {  	s0 =	sor.u32 s1, s0  }
0xbc: {  	s0 =	sadd.s32 $0x8F2B, s0  }
0xbd: {  	[sflag:s0] =	ssyncadd.remote.s32 $0x1  }
0xbe: {  	_ =	sfence.sel $0xFFFF  }
0xbf: {  	[dreg:$0x0] =	wrdreg $0xFFFFFFFF;
	(pc) =	sbr.abs _section_cstart, $3  }
0xc0: {  	[dreg:$0x1] =	wrdreg $0xFFFFFFFF  }
0xc1: {  	_ =	task.clear_ibuf [dreg:s6], $0x2FFFF;
	_ =	strace $0x9FFFFFFF  }
0xc2: {  	(tm) =	ssettm $0x7FFFFFFF  }
0xc3: {  	_ =	shalt  }
tec
execute0_lowered:
.L_overlay_start_1:
0x0: {  	(tag) =	ssettag $0x1  }
0x1: {  	s0 =	srdreg.scid;
	s1 =	rddreg [dreg:$0x0]  }
0x2: {  	s7 =	stileid.u32;
	s2 =	rddreg [dreg:$0x1];
	s3 =	simm.s32 $0x0  }
0x3: {  	s28 =	simm.s32 $0x50;
	s29 =	simm.s32 $0x100;
	s4 =	smul.u32 $0x4E20, s7  }
0x4: {  	s30 =	simm.s32 $0x1;
	s6 =	smul.u32 $0x4F000, s7;
	s12 =	sadd.s32 $0x128400, s2  }
0x5: {  	s31 =	simm.s32 $0x0;
	s13 =	sadd.s32 $0x12AC00, s2;
	s15 =	sadd.s32 $0x12D400, s2  }
0x6: {  	s0 =	sand.u32 $0x1, s0;
	s19 =	smul.u32 $0x13C00, s7;
	s17 =	sadd.s32 $0x132400, s2  }
0x7: {  	[smem:$0x7FF] =	sst s3;
	s18 =	sadd.s32 $0x134C00, s2;
	s5 =	smul.u32 $0x2710, s0  }
0x8: {  	p0 =	seq.s32 s7, $0xF;
	s23 =	ssub.s32 $0x2, s0;
	s0 =	smul.u32 $0x138800, s0  }
0x9: {  	_ =	strace $0x8000004A;
	s6 =	sshrl.u32 s6, $0x2;
	s16 =	sshrl.u32 s23, $0x1  }
0xa: {  	s4 =	sadd.s32 s5, s4;
	s20 =	sadd.s32 s19, s0;
	s0 =	sshrl.u32 s0, $0x3  }
0xb: {  	s19 =	sadd.s32 $0x137400, s2;
	s5 =	sshrl.u32 s4, $0x3;
	s4 =	sadd.s32 $0xB1A00, s1  }
0xc: {  	s20 =	sshrl.u32 s20, $0x3;
	s24 =	sadd.s32 s5, s1;
	s5 =	sadd.s32 s6, s2  }
0xd: {  	s1 =	sadd.s32 $0xD8C00, s1;
	s6 =	ssub.s32 s23, s16;
	s16 =	sadd.s32 $0x12FC00, s2  }
0xe: {  	s8 =	sadd.s32 $0x2800, s5;
	s25 =	sadd.s32 $0x5000, s5;
	s26 =	sadd.s32 $0x7800, s5  }
0xf: {  	s9 =	sadd.s32 $0xA000, s5;
	s10 =	sadd.s32 $0xC800, s5;
	s11 =	sadd.s32 $0xF000, s5  }
0x10: {  	s14 =	sadd.s32 $0x11800, s5;
	s0 =	sadd.s32 s1, s0;
	[dreg:$0x3] =	wrdreg s8  }
0x11: {  	s20 =	sadd.s32 s1, s20;
	s22 =	smax.u32 s6, $0x1;
	[dreg:$0x4] =	wrdreg s25  }
0x12: {  	s23 =	sadd.s32 $0x600, s24;
	s24 =	sadd.s32 $0xA400, s24;
	[dreg:$0x5] =	wrdreg s26  }
0x13: {  	v0 =	vimm.f32 $0.0e+00;
	s21 =	sadd.s32 $0x25080, s0;
	s25 =	simm.s32 $0x2;
	s26 =	simm.s32 $0x80  }
.LBB2_1:
0x14: {  	s0 =	sand.u32 $0xFE00, s3  }
0x15: {  	s6 =	sand.u32 $0x70, s3;
	s0 =	sshrl.u32 s0, $0x2  }
0x16: {  	s1 =	simm.s32 $0x40;
	s6 =	sor.u32 s6, s0;
	s0 =	simm.s32 $0x0  }
.LBB2_2:
0x17: {  	p1 =	sne.s32 s1, $0x9FC0  }
0x18: {  	[tilespmem:s6+$0x100] =	vst v0;
	s0 =	sadd.s32 $0x10, s0;
	s6 =	smov.u32 s1;
	s1 =	sadd.s32 $0x40, s1  }
.Ltmp0:
0x19: {  	(pc) =	sbr.rel @p1 .LBB2_2-.Ltmp0, $4  }
0x1a: {  	_ = 	snop  }
0x1b: {  	s6 =	sand.u32 $0xFE00, s6  }
0x1c: {  	s7 =	sand.u32 $0x70, s0;
	s6 =	sshrl.u32 s6, $0x2  }
0x1d: {  	s6 =	sor.u32 s7, s6  }
0x1e: {  	[tilespmem:s6+$0x100] =	vst v0;
	s0 =	simm.s32 @p0 $0x100;
	s1 =	simm.s32 @p0 $0x2  }
0x1f: {  	[spmem:s12] =	stream.linear.scatter @p0 [tilespmem:s0], [sflag:$0x2], $0x2800, $0x38;
	[tilespmem:$0x16180] =	vst v63  }
0x20: {  	_ =	swait.ge @p0 [sflag:s1], $0x2800  }
0x21: {  	[sflag:s1] =	ssyncset.done @p0 $0x0  }
0x22: {  	[sflag:s1] =	ssyncadd.s32 @p0 $0xFFFFD800  }
0x23: {  	[spmem:s13] =	stream.linear.scatter @p0 [tilespmem:s0], [sflag:$0x2], $0x2800, $0x38;
	[tilespmem:$0x16180] =	vst v63  }
0x24: {  	_ =	swait.ge @p0 [sflag:s1], $0x2800  }
0x25: {  	[sflag:s1] =	ssyncset.done @p0 $0x0  }
0x26: {  	[sflag:s1] =	ssyncadd.s32 @p0 $0xFFFFD800  }
0x27: {  	[spmem:s15] =	stream.linear.scatter @p0 [tilespmem:s0], [sflag:$0x2], $0x2800, $0x38;
	[tilespmem:$0x16180] =	vst v63  }
0x28: {  	_ =	swait.ge @p0 [sflag:s1], $0x2800  }
0x29: {  	[sflag:s1] =	ssyncset.done @p0 $0x0  }
0x2a: {  	[sflag:s1] =	ssyncadd.s32 @p0 $0xFFFFD800  }
0x2b: {  	[spmem:s16] =	stream.linear.scatter @p0 [tilespmem:s0], [sflag:$0x2], $0x2800, $0x38;
	[tilespmem:$0x16180] =	vst v63  }
0x2c: {  	_ =	swait.ge @p0 [sflag:s1], $0x2800  }
0x2d: {  	[sflag:s1] =	ssyncset.done @p0 $0x0  }
0x2e: {  	[sflag:s1] =	ssyncadd.s32 @p0 $0xFFFFD800  }
0x2f: {  	[spmem:s17] =	stream.linear.scatter @p0 [tilespmem:s0], [sflag:$0x2], $0x2800, $0x38;
	[tilespmem:$0x16180] =	vst v63  }
0x30: {  	_ =	swait.ge @p0 [sflag:s1], $0x2800  }
0x31: {  	[sflag:s1] =	ssyncset.done @p0 $0x0  }
0x32: {  	[sflag:s1] =	ssyncadd.s32 @p0 $0xFFFFD800  }
0x33: {  	[spmem:s18] =	stream.linear.scatter @p0 [tilespmem:s0], [sflag:$0x2], $0x2800, $0x38;
	[tilespmem:$0x16180] =	vst v63  }
0x34: {  	_ =	swait.ge @p0 [sflag:s1], $0x2800  }
0x35: {  	[sflag:s1] =	ssyncset.done @p0 $0x0  }
0x36: {  	[sflag:s1] =	ssyncadd.s32 @p0 $0xFFFFD800  }
0x37: {  	[spmem:s19] =	stream.linear.scatter @p0 [tilespmem:s0], [sflag:$0x2], $0x1400, $0x38;
	[tilespmem:$0x16180] =	vst v63  }
0x38: {  	_ =	swait.ge @p0 [sflag:s1], $0x1400  }
0x39: {  	[sflag:s1] =	ssyncset.done @p0 $0x0  }
0x3a: {  	s0 =	simm.s32 @!p0 $0x100;
	[sflag:s1] =	ssyncadd.s32 @p0 $0xFFFFEC00;
	s1 =	simm.s32 @!p0 $0x2  }
0x3b: {  	[spmem:s5] =	stream.linear.scatter @!p0 [tilespmem:s0], [sflag:$0x2], $0x2800, $0x38;
	[tilespmem:$0x16180] =	vst v63  }
0x3c: {  	_ =	swait.ge @!p0 [sflag:s1], $0x2800  }
0x3d: {  	[sflag:s1] =	ssyncset.done @!p0 $0x0  }
0x3e: {  	s6 =	rddreg [dreg:$0x3];
	[sflag:s1] =	ssyncadd.s32 @!p0 $0xFFFFD800  }
0x3f: {  	[spmem:s6] =	stream.linear.scatter @!p0 [tilespmem:s0], [sflag:$0x2], $0x2800, $0x38;
	[tilespmem:$0x16180] =	vst v63  }
0x40: {  	_ =	swait.ge @!p0 [sflag:s1], $0x2800  }
0x41: {  	[sflag:s1] =	ssyncset.done @!p0 $0x0  }
0x42: {  	s6 =	rddreg [dreg:$0x4];
	[sflag:s1] =	ssyncadd.s32 @!p0 $0xFFFFD800  }
0x43: {  	[spmem:s6] =	stream.linear.scatter @!p0 [tilespmem:s0], [sflag:$0x2], $0x2800, $0x38;
	[tilespmem:$0x16180] =	vst v63  }
0x44: {  	_ =	swait.ge @!p0 [sflag:s1], $0x2800  }
0x45: {  	[sflag:s1] =	ssyncset.done @!p0 $0x0  }
0x46: {  	s6 =	rddreg [dreg:$0x5];
	[sflag:s1] =	ssyncadd.s32 @!p0 $0xFFFFD800  }
0x47: {  	[spmem:s6] =	stream.linear.scatter @!p0 [tilespmem:s0], [sflag:$0x2], $0x2800, $0x38;
	[tilespmem:$0x16180] =	vst v63  }
0x48: {  	_ =	swait.ge @!p0 [sflag:s1], $0x2800  }
0x49: {  	[sflag:s1] =	ssyncset.done @!p0 $0x0  }
0x4a: {  	[sflag:s1] =	ssyncadd.s32 @!p0 $0xFFFFD800  }
0x4b: {  	[spmem:s9] =	stream.linear.scatter @!p0 [tilespmem:s0], [sflag:$0x2], $0x2800, $0x38;
	[tilespmem:$0x16180] =	vst v63  }
0x4c: {  	_ =	swait.ge @!p0 [sflag:s1], $0x2800  }
0x4d: {  	[sflag:s1] =	ssyncset.done @!p0 $0x0  }
0x4e: {  	[sflag:s1] =	ssyncadd.s32 @!p0 $0xFFFFD800  }
0x4f: {  	[spmem:s10] =	stream.linear.scatter @!p0 [tilespmem:s0], [sflag:$0x2], $0x2800, $0x38;
	[tilespmem:$0x16180] =	vst v63  }
0x50: {  	_ =	swait.ge @!p0 [sflag:s1], $0x2800  }
0x51: {  	[sflag:s1] =	ssyncset.done @!p0 $0x0  }
0x52: {  	[sflag:s1] =	ssyncadd.s32 @!p0 $0xFFFFD800  }
0x53: {  	[spmem:s11] =	stream.linear.scatter @!p0 [tilespmem:s0], [sflag:$0x2], $0x2800, $0x38;
	[tilespmem:$0x16180] =	vst v63  }
0x54: {  	_ =	swait.ge @!p0 [sflag:s1], $0x2800  }
0x55: {  	[sflag:s1] =	ssyncset.done @!p0 $0x0  }
0x56: {  	[sflag:s1] =	ssyncadd.s32 @!p0 $0xFFFFD800  }
0x57: {  	[spmem:s14] =	stream.linear.scatter @!p0 [tilespmem:s0], [sflag:$0x2], $0x2400, $0x38;
	[tilespmem:$0x16180] =	vst v63  }
0x58: {  	_ =	swait.ge @!p0 [sflag:s1], $0x2400  }
0x59: {  	[sflag:s1] =	ssyncset.done @!p0 $0x0  }
0x5a: {  	[sflag:s1] =	ssyncadd.s32 @!p0 $0xFFFFDC00  }
0x5b: {  	s7 =	sadd.s32 $0x0, s24;
	[bflag:$0x0] =	sbarrier.arrive $0xFFFF  }
0x5c: {  	[tilespmem:s3], [sflag:$0x2] =	stream.linear.gather [hbm4b:s7+s3], $0x50, $0x38;
	[tilespmem:$0x16180] =	vst v63  }
0x5d: {  	_ =	swait.ge [sflag:s25], $0x50  }
0x5e: {  	[sflag:s25] =	ssyncset.done $0x0  }
0x5f: {  	s8 =	sadd.s32 $0x0, s23;
	[sflag:s25] =	ssyncadd.s32 $0xFFFFFFB0  }
0x60: {  	[tilespmem:s26], [sflag:$0x2] =	stream.linear.gather [hbm4b:s8+s3], $0x50, $0x38;
	[tilespmem:$0x16180] =	vst v63  }
0x61: {  	_ =	swait.ge [sflag:s25], $0x50  }
0x62: {  	[sflag:s25] =	ssyncset.done $0x0  }
0x63: {  	[sflag:s25] =	ssyncadd.s32 $0xFFFFFFB0  }
0x64: {  	[tilespmem:s29], [sflag:$0x1] =	stream.indirect.gather [hbm4b:s4+s28], $0x80, s3, s28, $0xb8;
	[tilespmem:$0x16180] =	vst v63  }
0x65: {  	_ =	swait.ge [sflag:s30], $0x2800  }
0x66: {  	[sflag:s30] =	ssyncset.done $0x0  }
0x67: {  	[sflag:s30] =	ssyncadd.s32 $0xFFFFD800  }
0x68: {  	[spmem:s2] =	stream.indirect.scatter.add.f32 [tilespmem:s29], [sflag:$0x2], $0x80, s26, s28, $0xb8;
	[tilespmem:$0x16180] =	vst v63  }
0x69: {  	_ =	swait.ge [sflag:s25], $0x2800  }
0x6a: {  	s0 =	simm.s32 $0x14;
	s1 =	simm.s32 $0xA;
	[sflag:s25] =	ssyncset.done $0x0  }
.LBB2_4:
0x6b: {  	s6 =	sadd.s32 s1, s24  }
0x6c: {  	[sflag:s25] =	ssyncadd.s32 $0xFFFFD800;
	s7 =	smov.u32 s0;
	s8 =	sadd.s32 $0xA, s0  }
0x6d: {  	[tilespmem:s3], [sflag:$0x2] =	stream.linear.gather [hbm4b:s6+s3], $0x50, $0x38;
	[tilespmem:$0x16180] =	vst v63  }
0x6e: {  	p1 =	sne.s32 s0, $0x4D8;
	_ =	swait.ge [sflag:s25], $0x50  }
0x6f: {  	[sflag:s25] =	ssyncset.done $0x0  }
0x70: {  	s0 =	sadd.s32 s1, s23;
	s1 =	smov.u32 s7;
	[sflag:s25] =	ssyncadd.s32 $0xFFFFFFB0  }
0x71: {  	[tilespmem:s26], [sflag:$0x2] =	stream.linear.gather [hbm4b:s0+s3], $0x50, $0x38;
	[tilespmem:$0x16180] =	vst v63  }
0x72: {  	_ =	swait.ge [sflag:s25], $0x50  }
0x73: {  	[sflag:s25] =	ssyncset.done $0x0  }
0x74: {  	[sflag:s25] =	ssyncadd.s32 $0xFFFFFFB0  }
0x75: {  	[tilespmem:s29], [sflag:$0x1] =	stream.indirect.gather [hbm4b:s4+s28], $0x80, s3, s28, $0xb8;
	[tilespmem:$0x16180] =	vst v63  }
0x76: {  	_ =	swait.ge [sflag:s30], $0x2800  }
.Ltmp1:
0x77: {  	[sflag:s30] =	ssyncset.done $0x0;
	(pc) =	sbr.rel @p1 .LBB2_4-.Ltmp1, $4  }
0x78: {  	[sflag:s30] =	ssyncadd.s32 $0xFFFFD800  }
0x79: {  	[spmem:s2] =	stream.indirect.scatter.add.f32 [tilespmem:s29], [sflag:$0x2], $0x80, s26, s28, $0xb8;
	[tilespmem:$0x16180] =	vst v63  }
0x7a: {  	_ =	swait.ge [sflag:s25], $0x2800  }
0x7b: {  	s0 =	smov.u32 s8;
	[sflag:s25] =	ssyncset.done $0x0  }
0x7c: {  	s0 =	sadd.s32 s1, s24;
	[sflag:s25] =	ssyncadd.s32 $0xFFFFD800  }
0x7d: {  	[tilespmem:s3], [sflag:$0x2] =	stream.linear.gather [hbm4b:s0+s3], $0x50, $0x38;
	[tilespmem:$0x16180] =	vst v63  }
0x7e: {  	_ =	swait.ge [sflag:s25], $0x50  }
0x7f: {  	[sflag:s25] =	ssyncset.done $0x0  }
0x80: {  	s8 =	sadd.s32 s1, s23;
	[sflag:s25] =	ssyncadd.s32 $0xFFFFFFB0  }
0x81: {  	[tilespmem:s26], [sflag:$0x2] =	stream.linear.gather [hbm4b:s8+s3], $0x50, $0x38;
	[tilespmem:$0x16180] =	vst v63  }
0x82: {  	_ =	swait.ge [sflag:s25], $0x50  }
0x83: {  	[sflag:s25] =	ssyncset.done $0x0  }
0x84: {  	[sflag:s25] =	ssyncadd.s32 $0xFFFFFFB0  }
0x85: {  	[tilespmem:s29], [sflag:$0x1] =	stream.indirect.gather [hbm4b:s4+s28], $0x80, s3, s28, $0xb8;
	[tilespmem:$0x16180] =	vst v63  }
0x86: {  	_ =	swait.ge [sflag:s30], $0x2800  }
0x87: {  	[sflag:s30] =	ssyncset.done $0x0  }
0x88: {  	[sflag:s30] =	ssyncadd.s32 $0xFFFFD800  }
0x89: {  	[spmem:s2] =	stream.indirect.scatter.add.f32 [tilespmem:s29], [sflag:$0x2], $0x80, s26, s28, $0xb8;
	[tilespmem:$0x16180] =	vst v63  }
0x8a: {  	_ =	swait.ge [sflag:s25], $0x2800  }
0x8b: {  	[sflag:s25] =	ssyncset.done $0x0  }
0x8c: {  	[sflag:s25] =	ssyncadd.s32 $0xFFFFD800  }
0x8d: {  	s1 =	simm.s32 @p0 $0x1FC2;
	s0 =	sshrl.u32 @p0 s12, $0x3;
	[bflag:$0x0] =	sbarrier.arrive $0xFFFF  }
0x8e: {  	[hbm:s21], [sflag:s1] =	dma.local @p0 [spmem:s0], $0x2080  }
0x8f: {  	s0 =	simm.s32 @p0 $0x2  }
0x90: {  	s31 =	sadd.s32 $0x1, s31;
	s1 =	stileid.u32;
	_ =	swait.ge @p0 [sflag:s0], $0x2080  }
0x91: {  	p1 =	sne.s32 s31, s22;
	s1 =	sshll.u32 @!p0 s1, $0x6;
	[sflag:s0] =	ssyncset.done @p0 $0x0  }
0x92: {  	[sflag:s0] =	ssyncadd.s32 @p0 $0xFFFFDF80;
	s0 =	sor.u32 @!p0 $0x1C02, s1;
	s1 =	sshrl.u32 @!p0 s5, $0x3  }
0x93: {  	[hbm:s20], [sflag:s0] =	dma.local @!p0 [spmem:s1], $0x2780  }
.Ltmp2:
0x94: {  	_ = 	snop;
	(pc) =	sbr.rel @p1 .LBB2_1-.Ltmp2, $4  }
0x95: {  	s0 =	simm.s32 @!p0 $0x2  }
0x96: {  	_ =	swait.ge @!p0 [sflag:s0], $0x2780  }
0x97: {  	[sflag:s0] =	ssyncset.done @!p0 $0x0  }
0x98: {  	[sflag:s0] =	ssyncadd.s32 @!p0 $0xFFFFD880  }
0x99: {  	_ =	sfence.sel $0x180000  }
0x9a: {  	[bflag:$0x0] =	sbarrier.arrive $0xFFFF  }
0x9b: {  	_ =	strace $0x9000004A  }
0x9c: {  	s0 =	stileid.u32;
	[bflag:$0x2] =	sbarrier.arrive $0xFFFF  }
0x9d: {  	p0 =	sne.s32 s0, $0x0;
	s0 =	rddreg [dreg:$0x2]  }
0x9e: {  	s0 =	sadd.s32 @!p0 $0x100000, s0  }
0x9f: {  	[sflag:s0] =	ssyncadd.tile.s32 @!p0 $0x1;
	_ =	shalt  }
.Lfunc_end2:
_tile_overlayer_lowered:
.L_overlay_start_2:
0xa0: {  	(tag) =	ssettag $0x2  }
0xa1: {  	s0 =	rddreg [dreg:$0x0];
	s2 =	stileid.u32  }
0xa2: {  	s1 =	rddreg [dreg:$0x1];
	p0 =	sne.s32 s2, $0x0  }
0xa3: {  	s3 =	rddreg [dreg:$0x2];
	[bflag:$0x3] =	sbarrier.arrive $0xFFFF;
	s2 =	simm.s32 @!p0 $0x1C02  }
0xa4: {  	[timem:s3], [sflag:s2] =	dma.local @!p0 [hbm:s0], s1  }
0xa5: {  	s0 =	simm.s32 @!p0 $0x2  }
0xa6: {  	_ =	swait.ge @!p0 [sflag:s0], s1  }
0xa7: {  	s1 =	ssub.s32 @!p0 $0x0, s1;
	[sflag:s0] =	ssyncset.done @!p0 $0x0  }
0xa8: {  	[sflag:s0] =	ssyncadd.s32 @!p0 s1  }
0xa9: {  	[bflag:$0x3] =	sbarrier.arrive $0xFFFF  }
0xaa: {  	_ =	shalt  }

</sc_bundles>
